<compile_context>
chip_gen: v7x
topology: tpu7x:2x2x1
jax: 0.10.2.dev20260603
libtpu: 0.0.44.dev20260713+nightly
codegen_flags: <defaults>
</compile_context>

<pallas_src>
import functools

import jax
import jax.numpy as jnp
from jax import lax
from jax.experimental import pallas as pl
from jax.experimental.pallas import tpu as pltpu
from jax.experimental.pallas import tpu_sc as plsc


def _emb_call(b, s, d, x_t, table_p):
    info = plsc.get_sparse_core_info()
    nw = info.num_cores * info.num_subcores
    n_units = (s // 8) * (b // 128)
    per_w = n_units // nw
    nb = b // 128

    mesh = plsc.VectorSubcoreMesh(core_axis_name="c", subcore_axis_name="s")

    @functools.partial(
        pl.kernel,
        mesh=mesh,
        out_type=jax.ShapeDtypeStruct((s, d, b), jnp.float32),
        scratch_types=[
            pltpu.VMEM((2, 8, 128), jnp.int32),
            pltpu.VMEM((2, 128, 128), jnp.float32),
            pltpu.VMEM((2, 64, 129), jnp.float32),
            pltpu.SemaphoreType.DMA((2,)),
            pltpu.SemaphoreType.DMA((2,)),
        ],
        compiler_params=pltpu.CompilerParams(needs_layout_passes=False),
    )
    def emb(x_hbm, table_hbm, out_hbm, xblk, gbuf, tbuf, gsem, wsem):
        wid = lax.axis_index("s") * info.num_cores + lax.axis_index("c")
        u0 = wid * per_w
        iota = lax.iota(jnp.int32, 16)

        def load_xblk(u, p):
            so = u // nb
            bb = u % nb
            pltpu.sync_copy(
                x_hbm.at[pl.ds(so * 8, 8), pl.ds(bb * 128, 128)], xblk.at[p])

        def g_start(c, gb):
            r, p = c % 8, (c // 8) % 2
            pltpu.async_copy(
                table_hbm.at[xblk.at[p].at[r]], gbuf.at[gb], gsem.at[gb])

        def g_wait(c, gb):
            r, p = c % 8, (c // 8) % 2
            pltpu.make_async_copy(
                table_hbm.at[xblk.at[p].at[r]], gbuf.at[gb], gsem.at[gb]).wait()

        def w_start(c, gb):
            u, r = u0 + c // 8, c % 8
            so = u // nb
            bb = u % nb
            pltpu.async_copy(
                tbuf.at[gb].at[:, pl.ds(0, 128)],
                out_hbm.at[so * 8 + r].at[:, pl.ds(bb * 128, 128)],
                wsem.at[gb])

        def w_wait(gb):
            pltpu.make_async_copy(
                tbuf.at[gb].at[:, pl.ds(0, 128)],
                out_hbm.at[0].at[:, pl.ds(0, 128)],
                wsem.at[gb]).wait()

        kiota = [iota + (16 * k) for k in range(4)]

        def transpose(gb):
            g2 = gbuf.at[gb]
            t2 = tbuf.at[gb]

            def tok(t, carry):
                tcol = jnp.full((16,), t, jnp.int32)
                for k in range(4):
                    v = g2[t, pl.ds(k * 16, 16)]
                    plsc.store_scatter(t2, [kiota[k], tcol], v)
                return carry

            lax.fori_loop(0, 128, tok, 0)

        n_ch = per_w * 8

        def prefetch(c):
            nc = c + 1

            @pl.when((nc % 8 == 0) & (nc < n_ch))
            def _():
                load_xblk(u0 + nc // 8, (nc // 8) % 2)

            @pl.when(nc < n_ch)
            def _():
                g_start(nc, nc % 2)

        load_xblk(u0, 0)
        g_start(0, 0)
        for c in (0, 1):
            gb = c % 2
            g_wait(c, gb)
            prefetch(c)
            transpose(gb)
            w_start(c, gb)

        def body(t, carry):
            for gb in range(2):
                c = 2 * t + 2 + gb
                g_wait(c, gb)
                prefetch(c)
                w_wait(gb)
                transpose(gb)
                w_start(c, gb)
            return carry

        lax.fori_loop(0, (n_ch - 2) // 2, body, 0)
        w_wait(0)
        w_wait(1)

    return emb(x_t, table_p)


def kernel(x, table):
    b, s = x.shape
    v, d = table.shape
    x_t = x.T.astype(jnp.int32)
    table_p = jnp.pad(table, ((0, 0), (0, 128 - d)))
    p = _emb_call(b, s, d, x_t, table_p)
    return jnp.transpose(p, (2, 0, 1))

# --- scband reference (transcript-rebuilt; emitter-appended) ---
"""Pipeline reference for scband-token-embedding-31593779429523 (READ-ONLY COPY).

The authoritative reference and input builder live on the scoring server;
editing this copy changes nothing except your own understanding.
"""

import jax, jax.numpy as jnp
import numpy as np

N_EMBEDDINGS = 1000000
EMBEDDING_SIZE = 64
BATCH = 4096
SEQ = 200

def setup_inputs(seed: int = 0) -> dict:
    key = jax.random.key(seed)
    k1, k2 = jax.random.split(key)
    x = jax.random.randint(k1, (BATCH, SEQ), 0, N_EMBEDDINGS, dtype=jnp.int64 if jax.config.read('jax_enable_x64') else jnp.int32)
    table = jax.random.normal(k2, (N_EMBEDDINGS, EMBEDDING_SIZE), dtype=jnp.float32)
    return {"x": x, "table": table}

def reference(x, table):
    # nn.Embedding forward: gather rows of the table by index
    return jnp.take(table, x, axis=0)

if __name__ == "__main__":
    import jax
    _d = setup_inputs()
    print(jax.jit(kernel)(*tuple(_d.values())))

</pallas_src>

<mosaic_0001>
#map = affine_map<(d0, d1) -> (0, 0)>
#map1 = affine_map<(d0, d1) -> (0, 0, 0)>
module attributes {stable_mosaic.version = 14 : i64} {
  func.func @emb(%arg0: i32, %arg1: i32, %arg2: memref<200x4096xi32, #tpu.memory_space<hbm>>, %arg3: memref<1000000x128xf32, #tpu.memory_space<hbm>>, %arg4: memref<200x64x4096xf32, #tpu.memory_space<hbm>>, %arg5: memref<2x8x128xi32, #tpu.memory_space<vmem>>, %arg6: memref<2x128x128xf32, #tpu.memory_space<vmem>>, %arg7: memref<2x64x129xf32, #tpu.memory_space<vmem>>, %arg8: memref<2x!tpu.dma_semaphore, #tpu.memory_space<semaphore_mem>>, %arg9: memref<2x!tpu.dma_semaphore, #tpu.memory_space<semaphore_mem>>) attributes {dimension_semantics = [#tpu.dimension_semantics<core_parallel>, #tpu.dimension_semantics<subcore_parallel>], iteration_bounds = array<i64: 2, 16>, scalar_prefetch = 0 : i64, scratch_operands = 5 : i64, tpu.core_type = #tpu.core_type<sc_vector_subcore>, window_params = [{transform_indices = #map}, {transform_indices = #map}, {transform_indices = #map1}]} {
    %mul3A = arith.constant 2 : i32
    %mul3A_0 = arith.muli %arg1, %mul3A : i32
    %add3A = arith.addi %mul3A_0, %arg0 : i32
    %mul3A_1 = arith.constant 25 : i32
    %mul3A_2 = arith.muli %add3A, %mul3A_1 : i32
    %iota3A = tpu.iota {dimensions = array<i32: 0>} : vector<16xi32>
    %add3A_3 = arith.constant 0 : i32
    %add3A_4 = vector.broadcast %add3A_3 : i32 to vector<16xi32>
    %add3A_5 = arith.addi %iota3A, %add3A_4 : vector<16xi32>
    %add3A_6 = arith.constant 16 : i32
    %add3A_7 = vector.broadcast %add3A_6 : i32 to vector<16xi32>
    %add3A_8 = arith.addi %iota3A, %add3A_7 : vector<16xi32>
    %add3A_9 = arith.constant 32 : i32
    %add3A_10 = vector.broadcast %add3A_9 : i32 to vector<16xi32>
    %add3A_11 = arith.addi %iota3A, %add3A_10 : vector<16xi32>
    %add3A_12 = arith.constant 48 : i32
    %add3A_13 = vector.broadcast %add3A_12 : i32 to vector<16xi32>
    %add3A_14 = arith.addi %iota3A, %add3A_13 : vector<16xi32>
    %jit3A = arith.constant 32 : i32
    %div3A = arith.divsi %mul3A_2, %jit3A : i32
    %sign3A = arith.constant 0 : i32
    %sign3A_15 = arith.cmpi sgt, %mul3A_2, %sign3A : i32
    %sign3A_16 = arith.extui %sign3A_15 : i1 to i32
    %sign3A_17 = arith.constant 0 : i32
    %sign3A_18 = arith.cmpi slt, %mul3A_2, %sign3A_17 : i32
    %sign3A_19 = arith.extui %sign3A_18 : i1 to i32
    %sign3A_20 = arith.subi %sign3A_16, %sign3A_19 : i32
    %sign3A_21 = arith.constant 0 : i32
    %sign3A_22 = arith.cmpi sgt, %jit3A, %sign3A_21 : i32
    %sign3A_23 = arith.extui %sign3A_22 : i1 to i32
    %sign3A_24 = arith.constant 0 : i32
    %sign3A_25 = arith.cmpi slt, %jit3A, %sign3A_24 : i32
    %sign3A_26 = arith.extui %sign3A_25 : i1 to i32
    %sign3A_27 = arith.subi %sign3A_23, %sign3A_26 : i32
    %ne3A = arith.cmpi ne, %sign3A_20, %sign3A_27 : i32
    %rem3A = arith.remsi %mul3A_2, %jit3A : i32
    %ne3A_28 = arith.constant 0 : i32
    %ne3A_29 = arith.cmpi ne, %rem3A, %ne3A_28 : i32
    %and3A = arith.andi %ne3A, %ne3A_29 : i1
    %sub3A = arith.constant 1 : i32
    %sub3A_30 = arith.subi %div3A, %sub3A : i32
    %select_n3A = arith.select %and3A, %sub3A_30, %div3A : i32
    %jit3A_31 = arith.constant 32 : i32
    %eq3A = arith.constant 0 : i32
    %eq3A_32 = arith.cmpi eq, %jit3A_31, %eq3A : i32
    %jit3A_33 = arith.constant 1 : i32
    %select_n3A_34 = arith.select %eq3A_32, %jit3A_33, %jit3A_31 : i32
    %rem3A_35 = arith.remsi %mul3A_2, %select_n3A_34 : i32
    %ne3A_36 = arith.constant 0 : i32
    %ne3A_37 = arith.cmpi ne, %rem3A_35, %ne3A_36 : i32
    %lt3A = arith.constant 0 : i32
    %lt3A_38 = arith.cmpi slt, %rem3A_35, %lt3A : i32
    %lt3A_39 = arith.constant 0 : i32
    %lt3A_40 = arith.cmpi slt, %select_n3A_34, %lt3A_39 : i32
    %ne3A_41 = arith.xori %lt3A_38, %lt3A_40 : i1
    %and3A_42 = arith.andi %ne3A_41, %ne3A_37 : i1
    %add3A_43 = arith.addi %rem3A_35, %select_n3A_34 : i32
    %select_n3A_44 = arith.select %and3A_42, %add3A_43, %rem3A_35 : i32
    %mul3A_45 = arith.constant 8 : i32
    %mul3A_46 = arith.muli %select_n3A, %mul3A_45 : i32
    %mul3A_47 = arith.constant 128 : i32
    %mul3A_48 = arith.muli %select_n3A_44, %mul3A_47 : i32
    %run_scoped3A = arith.constant 0 : i32
    "tpu.region"() ({
      %run_scoped3A_390 = tpu.sem_alloc : memref<!tpu.dma_semaphore, #tpu.memory_space<semaphore_mem>>
      %dma_start3A_391 = arith.constant 0 : i32
      %dma_start3A_392 = arith.constant 0 : i32
      %dma_start3A_393 = tpu.memref_slice %arg5[%run_scoped3A, %dma_start3A_391, %dma_start3A_392] : memref<2x8x128xi32, #tpu.memory_space<vmem>> -> memref<1x8x128xi32, #tpu.memory_space<vmem>>
      %dma_start3A_394 = tpu.memref_squeeze %dma_start3A_393 : memref<1x8x128xi32, #tpu.memory_space<vmem>> -> memref<8x128xi32, #tpu.memory_space<vmem>>
      %dma_start3A_395 = tpu.memref_slice %arg2[%mul3A_46, %mul3A_48] : memref<200x4096xi32, #tpu.memory_space<hbm>> -> memref<8x128xi32, #tpu.memory_space<hbm>>
      %dma_start3A_396 = arith.constant 0 : i32
      %dma_start3A_397 = arith.constant 0 : i32
      %dma_start3A_398 = tpu.memref_slice %arg5[%run_scoped3A, %dma_start3A_396, %dma_start3A_397] : memref<2x8x128xi32, #tpu.memory_space<vmem>> -> memref<1x8x128xi32, #tpu.memory_space<vmem>>
      %dma_start3A_399 = tpu.memref_squeeze %dma_start3A_398 : memref<1x8x128xi32, #tpu.memory_space<vmem>> -> memref<8x128xi32, #tpu.memory_space<vmem>>
      %dma_start3A_400 = tpu.memref_slice %arg2[%mul3A_46, %mul3A_48] : memref<200x4096xi32, #tpu.memory_space<hbm>> -> memref<8x128xi32, #tpu.memory_space<hbm>>
      tpu.enqueue_dma source(%dma_start3A_400 : memref<8x128xi32, #tpu.memory_space<hbm>>) target(%dma_start3A_399 : memref<8x128xi32, #tpu.memory_space<vmem>>) target_semaphore(%run_scoped3A_390 : memref<!tpu.dma_semaphore, #tpu.memory_space<semaphore_mem>>)
      %dma_wait3A_401 = arith.constant 0 : i32
      %dma_wait3A_402 = arith.constant 0 : i32
      %dma_wait3A_403 = tpu.memref_slice %arg5[%run_scoped3A, %dma_wait3A_401, %dma_wait3A_402] : memref<2x8x128xi32, #tpu.memory_space<vmem>> -> memref<1x8x128xi32, #tpu.memory_space<vmem>>
      %dma_wait3A_404 = tpu.memref_squeeze %dma_wait3A_403 : memref<1x8x128xi32, #tpu.memory_space<vmem>> -> memref<8x128xi32, #tpu.memory_space<vmem>>
      %dma_wait3A_405 = tpu.memref_slice %arg2[%mul3A_46, %mul3A_48] : memref<200x4096xi32, #tpu.memory_space<hbm>> -> memref<8x128xi32, #tpu.memory_space<hbm>>
      %dma_wait3A_406 = arith.constant 0 : i32
      %dma_wait3A_407 = arith.constant 0 : i32
      %dma_wait3A_408 = tpu.memref_slice %arg5[%run_scoped3A, %dma_wait3A_406, %dma_wait3A_407] : memref<2x8x128xi32, #tpu.memory_space<vmem>> -> memref<1x8x128xi32, #tpu.memory_space<vmem>>
      %dma_wait3A_409 = tpu.memref_squeeze %dma_wait3A_408 : memref<1x8x128xi32, #tpu.memory_space<vmem>> -> memref<8x128xi32, #tpu.memory_space<vmem>>
      %dma_wait3A_410 = tpu.memref_slice %arg2[%mul3A_46, %mul3A_48] : memref<200x4096xi32, #tpu.memory_space<hbm>> -> memref<8x128xi32, #tpu.memory_space<hbm>>
      tpu.wait_dma2 semaphore(%run_scoped3A_390 : memref<!tpu.dma_semaphore, #tpu.memory_space<semaphore_mem>>) src(%dma_wait3A_410 : memref<8x128xi32, #tpu.memory_space<hbm>>) dst(%dma_wait3A_409 : memref<8x128xi32, #tpu.memory_space<vmem>>)
      tpu.yield
    }) : () -> ()
    %dma_start3A = arith.constant 0 : i32
    %dma_start3A_49 = arith.constant 0 : i32
    %dma_start3A_50 = arith.constant 0 : i32
    %dma_start3A_51 = arith.constant 0 : i32
    %dma_start3A_52 = arith.constant 0 : i32
    %dma_start3A_53 = arith.constant 0 : i32
    %dma_start3A_54 = tpu.memref_slice %arg6[%dma_start3A_50, %dma_start3A_52, %dma_start3A_53] : memref<2x128x128xf32, #tpu.memory_space<vmem>> -> memref<1x128x128xf32, #tpu.memory_space<vmem>>
    %dma_start3A_55 = tpu.memref_squeeze %dma_start3A_54 : memref<1x128x128xf32, #tpu.memory_space<vmem>> -> memref<128x128xf32, #tpu.memory_space<vmem>>
    %dma_start3A_56 = arith.constant 0 : i32
    %dma_start3A_57 = arith.constant 0 : i32
    %dma_start3A_58 = tpu.memref_slice %arg5[%dma_start3A, %dma_start3A_56, %dma_start3A_57] : memref<2x8x128xi32, #tpu.memory_space<vmem>> -> memref<1x8x128xi32, #tpu.memory_space<vmem>>
    %dma_start3A_59 = tpu.memref_squeeze %dma_start3A_58 : memref<1x8x128xi32, #tpu.memory_space<vmem>> -> memref<8x128xi32, #tpu.memory_space<vmem>>
    %dma_start3A_60 = arith.constant 0 : i32
    %dma_start3A_61 = tpu.memref_slice %dma_start3A_59[%dma_start3A_49, %dma_start3A_60] : memref<8x128xi32, #tpu.memory_space<vmem>> -> memref<1x128xi32, #tpu.memory_space<vmem>>
    %dma_start3A_62 = tpu.memref_squeeze %dma_start3A_61 : memref<1x128xi32, #tpu.memory_space<vmem>> -> memref<128xi32, #tpu.memory_space<vmem>>
    %dma_start3A_63 = arith.constant 0 : i32
    %dma_start3A_64 = arith.constant 0 : i32
    %dma_start3A_65 = tpu.memref_slice %arg3[%dma_start3A_63, %dma_start3A_64] : memref<1000000x128xf32, #tpu.memory_space<hbm>> -> memref<1000000x128xf32, #tpu.memory_space<hbm>>
    %dma_start3A_66 = tpu.memref_slice %arg8[%dma_start3A_51] : memref<2x!tpu.dma_semaphore, #tpu.memory_space<semaphore_mem>> -> memref<1x!tpu.dma_semaphore, #tpu.memory_space<semaphore_mem>>
    %dma_start3A_67 = tpu.memref_squeeze %dma_start3A_66 : memref<1x!tpu.dma_semaphore, #tpu.memory_space<semaphore_mem>> -> memref<!tpu.dma_semaphore, #tpu.memory_space<semaphore_mem>>
    tpu.enqueue_indirect_dma source(%dma_start3A_65 : memref<1000000x128xf32, #tpu.memory_space<hbm>>) target(%dma_start3A_55 : memref<128x128xf32, #tpu.memory_space<vmem>>) offsets(%dma_start3A_62 : memref<128xi32, #tpu.memory_space<vmem>>) semaphore(%dma_start3A_67 : memref<!tpu.dma_semaphore, #tpu.memory_space<semaphore_mem>>)
    %dma_wait3A = arith.constant 0 : i32
    %dma_wait3A_68 = arith.constant 0 : i32
    %dma_wait3A_69 = arith.constant 0 : i32
    %dma_wait3A_70 = arith.constant 0 : i32
    %dma_wait3A_71 = arith.constant 0 : i32
    %dma_wait3A_72 = arith.constant 0 : i32
    %dma_wait3A_73 = tpu.memref_slice %arg6[%dma_wait3A_69, %dma_wait3A_71, %dma_wait3A_72] : memref<2x128x128xf32, #tpu.memory_space<vmem>> -> memref<1x128x128xf32, #tpu.memory_space<vmem>>
    %dma_wait3A_74 = tpu.memref_squeeze %dma_wait3A_73 : memref<1x128x128xf32, #tpu.memory_space<vmem>> -> memref<128x128xf32, #tpu.memory_space<vmem>>
    %dma_wait3A_75 = arith.constant 0 : i32
    %dma_wait3A_76 = arith.constant 0 : i32
    %dma_wait3A_77 = tpu.memref_slice %arg5[%dma_wait3A, %dma_wait3A_75, %dma_wait3A_76] : memref<2x8x128xi32, #tpu.memory_space<vmem>> -> memref<1x8x128xi32, #tpu.memory_space<vmem>>
    %dma_wait3A_78 = tpu.memref_squeeze %dma_wait3A_77 : memref<1x8x128xi32, #tpu.memory_space<vmem>> -> memref<8x128xi32, #tpu.memory_space<vmem>>
    %dma_wait3A_79 = arith.constant 0 : i32
    %dma_wait3A_80 = tpu.memref_slice %dma_wait3A_78[%dma_wait3A_68, %dma_wait3A_79] : memref<8x128xi32, #tpu.memory_space<vmem>> -> memref<1x128xi32, #tpu.memory_space<vmem>>
    %dma_wait3A_81 = tpu.memref_squeeze %dma_wait3A_80 : memref<1x128xi32, #tpu.memory_space<vmem>> -> memref<128xi32, #tpu.memory_space<vmem>>
    %dma_wait3A_82 = arith.constant 0 : i32
    %dma_wait3A_83 = arith.constant 0 : i32
    %dma_wait3A_84 = tpu.memref_slice %arg3[%dma_wait3A_82, %dma_wait3A_83] : memref<1000000x128xf32, #tpu.memory_space<hbm>> -> memref<1000000x128xf32, #tpu.memory_space<hbm>>
    %dma_wait3A_85 = tpu.memref_slice %arg8[%dma_wait3A_70] : memref<2x!tpu.dma_semaphore, #tpu.memory_space<semaphore_mem>> -> memref<1x!tpu.dma_semaphore, #tpu.memory_space<semaphore_mem>>
    %dma_wait3A_86 = tpu.memref_squeeze %dma_wait3A_85 : memref<1x!tpu.dma_semaphore, #tpu.memory_space<semaphore_mem>> -> memref<!tpu.dma_semaphore, #tpu.memory_space<semaphore_mem>>
    tpu.wait_indirect_dma semaphore(%dma_wait3A_86 : memref<!tpu.dma_semaphore, #tpu.memory_space<semaphore_mem>>) src(%dma_wait3A_84 : memref<1000000x128xf32, #tpu.memory_space<hbm>>) dst(%dma_wait3A_74 : memref<128x128xf32, #tpu.memory_space<vmem>>)
    %dma_start3A_87 = arith.constant 0 : i32
    %dma_start3A_88 = arith.constant 1 : i32
    %dma_start3A_89 = arith.constant 1 : i32
    %dma_start3A_90 = arith.constant 1 : i32
    %dma_start3A_91 = arith.constant 0 : i32
    %dma_start3A_92 = arith.constant 0 : i32
    %dma_start3A_93 = tpu.memref_slice %arg6[%dma_start3A_89, %dma_start3A_91, %dma_start3A_92] : memref<2x128x128xf32, #tpu.memory_space<vmem>> -> memref<1x128x128xf32, #tpu.memory_space<vmem>>
    %dma_start3A_94 = tpu.memref_squeeze %dma_start3A_93 : memref<1x128x128xf32, #tpu.memory_space<vmem>> -> memref<128x128xf32, #tpu.memory_space<vmem>>
    %dma_start3A_95 = arith.constant 0 : i32
    %dma_start3A_96 = arith.constant 0 : i32
    %dma_start3A_97 = tpu.memref_slice %arg5[%dma_start3A_87, %dma_start3A_95, %dma_start3A_96] : memref<2x8x128xi32, #tpu.memory_space<vmem>> -> memref<1x8x128xi32, #tpu.memory_space<vmem>>
    %dma_start3A_98 = tpu.memref_squeeze %dma_start3A_97 : memref<1x8x128xi32, #tpu.memory_space<vmem>> -> memref<8x128xi32, #tpu.memory_space<vmem>>
    %dma_start3A_99 = arith.constant 0 : i32
    %dma_start3A_100 = tpu.memref_slice %dma_start3A_98[%dma_start3A_88, %dma_start3A_99] : memref<8x128xi32, #tpu.memory_space<vmem>> -> memref<1x128xi32, #tpu.memory_space<vmem>>
    %dma_start3A_101 = tpu.memref_squeeze %dma_start3A_100 : memref<1x128xi32, #tpu.memory_space<vmem>> -> memref<128xi32, #tpu.memory_space<vmem>>
    %dma_start3A_102 = arith.constant 0 : i32
    %dma_start3A_103 = arith.constant 0 : i32
    %dma_start3A_104 = tpu.memref_slice %arg3[%dma_start3A_102, %dma_start3A_103] : memref<1000000x128xf32, #tpu.memory_space<hbm>> -> memref<1000000x128xf32, #tpu.memory_space<hbm>>
    %dma_start3A_105 = tpu.memref_slice %arg8[%dma_start3A_90] : memref<2x!tpu.dma_semaphore, #tpu.memory_space<semaphore_mem>> -> memref<1x!tpu.dma_semaphore, #tpu.memory_space<semaphore_mem>>
    %dma_start3A_106 = tpu.memref_squeeze %dma_start3A_105 : memref<1x!tpu.dma_semaphore, #tpu.memory_space<semaphore_mem>> -> memref<!tpu.dma_semaphore, #tpu.memory_space<semaphore_mem>>
    tpu.enqueue_indirect_dma source(%dma_start3A_104 : memref<1000000x128xf32, #tpu.memory_space<hbm>>) target(%dma_start3A_94 : memref<128x128xf32, #tpu.memory_space<vmem>>) offsets(%dma_start3A_101 : memref<128xi32, #tpu.memory_space<vmem>>) semaphore(%dma_start3A_106 : memref<!tpu.dma_semaphore, #tpu.memory_space<semaphore_mem>>)
    %scan3A = arith.constant 0 : i32
    %scan3A_107 = arith.constant 0 : i32
    %scan3A_108 = arith.constant 0 : i32
    %scan3A_109 = arith.constant 0 : i32
    %scan3A_110 = arith.constant 128 : i32
    %scan3A_111 = arith.addi %scan3A_109, %scan3A_110 : i32
    %scan3A_112 = arith.constant 1 : i32
    scf.for %scan3A_390 = %scan3A_109 to %scan3A_111 step %scan3A_112  : i32 {
      %broadcast_in_dim3A = vector.broadcast %scan3A_390 : i32 to vector<16xi32>
      %get3A = arith.constant 0 : i32
      %get3A_391 = arith.constant 0 : i32
      %get3A_392 = tpu.memref_slice %arg6[%scan3A_107, %get3A, %get3A_391] : memref<2x128x128xf32, #tpu.memory_space<vmem>> -> memref<1x128x128xf32, #tpu.memory_space<vmem>>
      %get3A_393 = tpu.memref_squeeze %get3A_392 : memref<1x128x128xf32, #tpu.memory_space<vmem>> -> memref<128x128xf32, #tpu.memory_space<vmem>>
      %get3A_394 = arith.index_cast %scan3A_390 : i32 to index
      %get3A_395 = arith.constant 0 : index
      %get3A_396 = tpu.vector_load %get3A_393[%get3A_394, %get3A_395] {strides = array<i32>} : memref<128x128xf32, #tpu.memory_space<vmem>>, vector<16xf32>,
      %scatter3A = arith.constant 0 : i32
      %scatter3A_397 = arith.constant 0 : i32
      %scatter3A_398 = tpu.memref_slice %arg7[%scan3A_108, %scatter3A, %scatter3A_397] : memref<2x64x129xf32, #tpu.memory_space<vmem>> -> memref<1x64x129xf32, #tpu.memory_space<vmem>>
      %scatter3A_399 = tpu.memref_squeeze %scatter3A_398 : memref<1x64x129xf32, #tpu.memory_space<vmem>> -> memref<64x129xf32, #tpu.memory_space<vmem>>
      tpu.vector_store_idx %scatter3A_399[%add3A_5, %broadcast_in_dim3A], %get3A_396 : memref<64x129xf32, #tpu.memory_space<vmem>>[vector<16xi32>, vector<16xi32>], vector<16xf32>,
      %get3A_400 = arith.constant 0 : i32
      %get3A_401 = arith.constant 0 : i32
      %get3A_402 = tpu.memref_slice %arg6[%scan3A_107, %get3A_400, %get3A_401] : memref<2x128x128xf32, #tpu.memory_space<vmem>> -> memref<1x128x128xf32, #tpu.memory_space<vmem>>
      %get3A_403 = tpu.memref_squeeze %get3A_402 : memref<1x128x128xf32, #tpu.memory_space<vmem>> -> memref<128x128xf32, #tpu.memory_space<vmem>>
      %get3A_404 = arith.index_cast %scan3A_390 : i32 to index
      %get3A_405 = arith.constant 16 : index
      %get3A_406 = tpu.vector_load %get3A_403[%get3A_404, %get3A_405] {strides = array<i32>} : memref<128x128xf32, #tpu.memory_space<vmem>>, vector<16xf32>,
      %scatter3A_407 = arith.constant 0 : i32
      %scatter3A_408 = arith.constant 0 : i32
      %scatter3A_409 = tpu.memref_slice %arg7[%scan3A_108, %scatter3A_407, %scatter3A_408] : memref<2x64x129xf32, #tpu.memory_space<vmem>> -> memref<1x64x129xf32, #tpu.memory_space<vmem>>
      %scatter3A_410 = tpu.memref_squeeze %scatter3A_409 : memref<1x64x129xf32, #tpu.memory_space<vmem>> -> memref<64x129xf32, #tpu.memory_space<vmem>>
      tpu.vector_store_idx %scatter3A_410[%add3A_8, %broadcast_in_dim3A], %get3A_406 : memref<64x129xf32, #tpu.memory_space<vmem>>[vector<16xi32>, vector<16xi32>], vector<16xf32>,
      %get3A_411 = arith.constant 0 : i32
      %get3A_412 = arith.constant 0 : i32
      %get3A_413 = tpu.memref_slice %arg6[%scan3A_107, %get3A_411, %get3A_412] : memref<2x128x128xf32, #tpu.memory_space<vmem>> -> memref<1x128x128xf32, #tpu.memory_space<vmem>>
      %get3A_414 = tpu.memref_squeeze %get3A_413 : memref<1x128x128xf32, #tpu.memory_space<vmem>> -> memref<128x128xf32, #tpu.memory_space<vmem>>
      %get3A_415 = arith.index_cast %scan3A_390 : i32 to index
      %get3A_416 = arith.constant 32 : index
      %get3A_417 = tpu.vector_load %get3A_414[%get3A_415, %get3A_416] {strides = array<i32>} : memref<128x128xf32, #tpu.memory_space<vmem>>, vector<16xf32>,
      %scatter3A_418 = arith.constant 0 : i32
      %scatter3A_419 = arith.constant 0 : i32
      %scatter3A_420 = tpu.memref_slice %arg7[%scan3A_108, %scatter3A_418, %scatter3A_419] : memref<2x64x129xf32, #tpu.memory_space<vmem>> -> memref<1x64x129xf32, #tpu.memory_space<vmem>>
      %scatter3A_421 = tpu.memref_squeeze %scatter3A_420 : memref<1x64x129xf32, #tpu.memory_space<vmem>> -> memref<64x129xf32, #tpu.memory_space<vmem>>
      tpu.vector_store_idx %scatter3A_421[%add3A_11, %broadcast_in_dim3A], %get3A_417 : memref<64x129xf32, #tpu.memory_space<vmem>>[vector<16xi32>, vector<16xi32>], vector<16xf32>,
      %get3A_422 = arith.constant 0 : i32
      %get3A_423 = arith.constant 0 : i32
      %get3A_424 = tpu.memref_slice %arg6[%scan3A_107, %get3A_422, %get3A_423] : memref<2x128x128xf32, #tpu.memory_space<vmem>> -> memref<1x128x128xf32, #tpu.memory_space<vmem>>
      %get3A_425 = tpu.memref_squeeze %get3A_424 : memref<1x128x128xf32, #tpu.memory_space<vmem>> -> memref<128x128xf32, #tpu.memory_space<vmem>>
      %get3A_426 = arith.index_cast %scan3A_390 : i32 to index
      %get3A_427 = arith.constant 48 : index
      %get3A_428 = tpu.vector_load %get3A_425[%get3A_426, %get3A_427] {strides = array<i32>} : memref<128x128xf32, #tpu.memory_space<vmem>>, vector<16xf32>,
      %scatter3A_429 = arith.constant 0 : i32
      %scatter3A_430 = arith.constant 0 : i32
      %scatter3A_431 = tpu.memref_slice %arg7[%scan3A_108, %scatter3A_429, %scatter3A_430] : memref<2x64x129xf32, #tpu.memory_space<vmem>> -> memref<1x64x129xf32, #tpu.memory_space<vmem>>
      %scatter3A_432 = tpu.memref_squeeze %scatter3A_431 : memref<1x64x129xf32, #tpu.memory_space<vmem>> -> memref<64x129xf32, #tpu.memory_space<vmem>>
      tpu.vector_store_idx %scatter3A_432[%add3A_14, %broadcast_in_dim3A], %get3A_428 : memref<64x129xf32, #tpu.memory_space<vmem>>[vector<16xi32>, vector<16xi32>], vector<16xf32>,
    }
    %scan3A_113 = arith.constant 128 : i32
    %add3A_114 = arith.constant 0 : i32
    %add3A_115 = arith.addi %mul3A_2, %add3A_114 : i32
    %jit3A_116 = arith.constant 32 : i32
    %div3A_117 = arith.divsi %add3A_115, %jit3A_116 : i32
    %sign3A_118 = arith.constant 0 : i32
    %sign3A_119 = arith.cmpi sgt, %add3A_115, %sign3A_118 : i32
    %sign3A_120 = arith.extui %sign3A_119 : i1 to i32
    %sign3A_121 = arith.constant 0 : i32
    %sign3A_122 = arith.cmpi slt, %add3A_115, %sign3A_121 : i32
    %sign3A_123 = arith.extui %sign3A_122 : i1 to i32
    %sign3A_124 = arith.subi %sign3A_120, %sign3A_123 : i32
    %sign3A_125 = arith.constant 0 : i32
    %sign3A_126 = arith.cmpi sgt, %jit3A_116, %sign3A_125 : i32
    %sign3A_127 = arith.extui %sign3A_126 : i1 to i32
    %sign3A_128 = arith.constant 0 : i32
    %sign3A_129 = arith.cmpi slt, %jit3A_116, %sign3A_128 : i32
    %sign3A_130 = arith.extui %sign3A_129 : i1 to i32
    %sign3A_131 = arith.subi %sign3A_127, %sign3A_130 : i32
    %ne3A_132 = arith.cmpi ne, %sign3A_124, %sign3A_131 : i32
    %rem3A_133 = arith.remsi %add3A_115, %jit3A_116 : i32
    %ne3A_134 = arith.constant 0 : i32
    %ne3A_135 = arith.cmpi ne, %rem3A_133, %ne3A_134 : i32
    %and3A_136 = arith.andi %ne3A_132, %ne3A_135 : i1
    %sub3A_137 = arith.constant 1 : i32
    %sub3A_138 = arith.subi %div3A_117, %sub3A_137 : i32
    %select_n3A_139 = arith.select %and3A_136, %sub3A_138, %div3A_117 : i32
    %jit3A_140 = arith.constant 32 : i32
    %eq3A_141 = arith.constant 0 : i32
    %eq3A_142 = arith.cmpi eq, %jit3A_140, %eq3A_141 : i32
    %jit3A_143 = arith.constant 1 : i32
    %select_n3A_144 = arith.select %eq3A_142, %jit3A_143, %jit3A_140 : i32
    %rem3A_145 = arith.remsi %add3A_115, %select_n3A_144 : i32
    %ne3A_146 = arith.constant 0 : i32
    %ne3A_147 = arith.cmpi ne, %rem3A_145, %ne3A_146 : i32
    %lt3A_148 = arith.constant 0 : i32
    %lt3A_149 = arith.cmpi slt, %rem3A_145, %lt3A_148 : i32
    %lt3A_150 = arith.constant 0 : i32
    %lt3A_151 = arith.cmpi slt, %select_n3A_144, %lt3A_150 : i32
    %ne3A_152 = arith.xori %lt3A_149, %lt3A_151 : i1
    %and3A_153 = arith.andi %ne3A_152, %ne3A_147 : i1
    %add3A_154 = arith.addi %rem3A_145, %select_n3A_144 : i32
    %select_n3A_155 = arith.select %and3A_153, %add3A_154, %rem3A_145 : i32
    %mul3A_156 = arith.constant 8 : i32
    %mul3A_157 = arith.muli %select_n3A_139, %mul3A_156 : i32
    %add3A_158 = arith.constant 0 : i32
    %add3A_159 = arith.addi %mul3A_157, %add3A_158 : i32
    %mul3A_160 = arith.constant 128 : i32
    %mul3A_161 = arith.muli %select_n3A_155, %mul3A_160 : i32
    %dma_start3A_162 = arith.constant 0 : i32
    %dma_start3A_163 = arith.constant 0 : i32
    %dma_start3A_164 = arith.constant 0 : i32
    %dma_start3A_165 = arith.constant 0 : i32
    %dma_start3A_166 = tpu.memref_slice %arg7[%dma_start3A_162, %dma_start3A_164, %dma_start3A_165] : memref<2x64x129xf32, #tpu.memory_space<vmem>> -> memref<1x64x129xf32, #tpu.memory_space<vmem>>
    %dma_start3A_167 = tpu.memref_squeeze %dma_start3A_166 : memref<1x64x129xf32, #tpu.memory_space<vmem>> -> memref<64x129xf32, #tpu.memory_space<vmem>>
    %dma_start3A_168 = arith.constant 0 : i32
    %dma_start3A_169 = arith.constant 0 : i32
    %dma_start3A_170 = tpu.memref_slice %dma_start3A_167[%dma_start3A_168, %dma_start3A_169] : memref<64x129xf32, #tpu.memory_space<vmem>> -> memref<64x128xf32, #tpu.memory_space<vmem>>
    %dma_start3A_171 = arith.constant 0 : i32
    %dma_start3A_172 = arith.constant 0 : i32
    %dma_start3A_173 = tpu.memref_slice %arg4[%add3A_159, %dma_start3A_171, %dma_start3A_172] : memref<200x64x4096xf32, #tpu.memory_space<hbm>> -> memref<1x64x4096xf32, #tpu.memory_space<hbm>>
    %dma_start3A_174 = tpu.memref_squeeze %dma_start3A_173 : memref<1x64x4096xf32, #tpu.memory_space<hbm>> -> memref<64x4096xf32, #tpu.memory_space<hbm>>
    %dma_start3A_175 = arith.constant 0 : i32
    %dma_start3A_176 = tpu.memref_slice %dma_start3A_174[%dma_start3A_175, %mul3A_161] : memref<64x4096xf32, #tpu.memory_space<hbm>> -> memref<64x128xf32, #tpu.memory_space<hbm>>
    %dma_start3A_177 = tpu.memref_slice %arg9[%dma_start3A_163] : memref<2x!tpu.dma_semaphore, #tpu.memory_space<semaphore_mem>> -> memref<1x!tpu.dma_semaphore, #tpu.memory_space<semaphore_mem>>
    %dma_start3A_178 = tpu.memref_squeeze %dma_start3A_177 : memref<1x!tpu.dma_semaphore, #tpu.memory_space<semaphore_mem>> -> memref<!tpu.dma_semaphore, #tpu.memory_space<semaphore_mem>>
    %dma_start3A_179 = arith.constant 0 : i32
    %dma_start3A_180 = arith.constant 0 : i32
    %dma_start3A_181 = tpu.memref_slice %arg4[%add3A_159, %dma_start3A_179, %dma_start3A_180] : memref<200x64x4096xf32, #tpu.memory_space<hbm>> -> memref<1x64x4096xf32, #tpu.memory_space<hbm>>
    %dma_start3A_182 = tpu.memref_squeeze %dma_start3A_181 : memref<1x64x4096xf32, #tpu.memory_space<hbm>> -> memref<64x4096xf32, #tpu.memory_space<hbm>>
    %dma_start3A_183 = arith.constant 0 : i32
    %dma_start3A_184 = tpu.memref_slice %dma_start3A_182[%dma_start3A_183, %mul3A_161] : memref<64x4096xf32, #tpu.memory_space<hbm>> -> memref<64x128xf32, #tpu.memory_space<hbm>>
    %dma_start3A_185 = arith.constant 0 : i32
    %dma_start3A_186 = arith.constant 0 : i32
    %dma_start3A_187 = tpu.memref_slice %arg7[%dma_start3A_162, %dma_start3A_185, %dma_start3A_186] : memref<2x64x129xf32, #tpu.memory_space<vmem>> -> memref<1x64x129xf32, #tpu.memory_space<vmem>>
    %dma_start3A_188 = tpu.memref_squeeze %dma_start3A_187 : memref<1x64x129xf32, #tpu.memory_space<vmem>> -> memref<64x129xf32, #tpu.memory_space<vmem>>
    %dma_start3A_189 = arith.constant 0 : i32
    %dma_start3A_190 = arith.constant 0 : i32
    %dma_start3A_191 = tpu.memref_slice %dma_start3A_188[%dma_start3A_189, %dma_start3A_190] : memref<64x129xf32, #tpu.memory_space<vmem>> -> memref<64x128xf32, #tpu.memory_space<vmem>>
    tpu.enqueue_dma source(%dma_start3A_191 : memref<64x128xf32, #tpu.memory_space<vmem>>) target(%dma_start3A_184 : memref<64x128xf32, #tpu.memory_space<hbm>>) target_semaphore(%dma_start3A_178 : memref<!tpu.dma_semaphore, #tpu.memory_space<semaphore_mem>>)
    %dma_wait3A_192 = arith.constant 0 : i32
    %dma_wait3A_193 = arith.constant 1 : i32
    %dma_wait3A_194 = arith.constant 1 : i32
    %dma_wait3A_195 = arith.constant 1 : i32
    %dma_wait3A_196 = arith.constant 0 : i32
    %dma_wait3A_197 = arith.constant 0 : i32
    %dma_wait3A_198 = tpu.memref_slice %arg6[%dma_wait3A_194, %dma_wait3A_196, %dma_wait3A_197] : memref<2x128x128xf32, #tpu.memory_space<vmem>> -> memref<1x128x128xf32, #tpu.memory_space<vmem>>
    %dma_wait3A_199 = tpu.memref_squeeze %dma_wait3A_198 : memref<1x128x128xf32, #tpu.memory_space<vmem>> -> memref<128x128xf32, #tpu.memory_space<vmem>>
    %dma_wait3A_200 = arith.constant 0 : i32
    %dma_wait3A_201 = arith.constant 0 : i32
    %dma_wait3A_202 = tpu.memref_slice %arg5[%dma_wait3A_192, %dma_wait3A_200, %dma_wait3A_201] : memref<2x8x128xi32, #tpu.memory_space<vmem>> -> memref<1x8x128xi32, #tpu.memory_space<vmem>>
    %dma_wait3A_203 = tpu.memref_squeeze %dma_wait3A_202 : memref<1x8x128xi32, #tpu.memory_space<vmem>> -> memref<8x128xi32, #tpu.memory_space<vmem>>
    %dma_wait3A_204 = arith.constant 0 : i32
    %dma_wait3A_205 = tpu.memref_slice %dma_wait3A_203[%dma_wait3A_193, %dma_wait3A_204] : memref<8x128xi32, #tpu.memory_space<vmem>> -> memref<1x128xi32, #tpu.memory_space<vmem>>
    %dma_wait3A_206 = tpu.memref_squeeze %dma_wait3A_205 : memref<1x128xi32, #tpu.memory_space<vmem>> -> memref<128xi32, #tpu.memory_space<vmem>>
    %dma_wait3A_207 = arith.constant 0 : i32
    %dma_wait3A_208 = arith.constant 0 : i32
    %dma_wait3A_209 = tpu.memref_slice %arg3[%dma_wait3A_207, %dma_wait3A_208] : memref<1000000x128xf32, #tpu.memory_space<hbm>> -> memref<1000000x128xf32, #tpu.memory_space<hbm>>
    %dma_wait3A_210 = tpu.memref_slice %arg8[%dma_wait3A_195] : memref<2x!tpu.dma_semaphore, #tpu.memory_space<semaphore_mem>> -> memref<1x!tpu.dma_semaphore, #tpu.memory_space<semaphore_mem>>
    %dma_wait3A_211 = tpu.memref_squeeze %dma_wait3A_210 : memref<1x!tpu.dma_semaphore, #tpu.memory_space<semaphore_mem>> -> memref<!tpu.dma_semaphore, #tpu.memory_space<semaphore_mem>>
    tpu.wait_indirect_dma semaphore(%dma_wait3A_211 : memref<!tpu.dma_semaphore, #tpu.memory_space<semaphore_mem>>) src(%dma_wait3A_209 : memref<1000000x128xf32, #tpu.memory_space<hbm>>) dst(%dma_wait3A_199 : memref<128x128xf32, #tpu.memory_space<vmem>>)
    %dma_start3A_212 = arith.constant 0 : i32
    %dma_start3A_213 = arith.constant 2 : i32
    %dma_start3A_214 = arith.constant 0 : i32
    %dma_start3A_215 = arith.constant 0 : i32
    %dma_start3A_216 = arith.constant 0 : i32
    %dma_start3A_217 = arith.constant 0 : i32
    %dma_start3A_218 = tpu.memref_slice %arg6[%dma_start3A_214, %dma_start3A_216, %dma_start3A_217] : memref<2x128x128xf32, #tpu.memory_space<vmem>> -> memref<1x128x128xf32, #tpu.memory_space<vmem>>
    %dma_start3A_219 = tpu.memref_squeeze %dma_start3A_218 : memref<1x128x128xf32, #tpu.memory_space<vmem>> -> memref<128x128xf32, #tpu.memory_space<vmem>>
    %dma_start3A_220 = arith.constant 0 : i32
    %dma_start3A_221 = arith.constant 0 : i32
    %dma_start3A_222 = tpu.memref_slice %arg5[%dma_start3A_212, %dma_start3A_220, %dma_start3A_221] : memref<2x8x128xi32, #tpu.memory_space<vmem>> -> memref<1x8x128xi32, #tpu.memory_space<vmem>>
    %dma_start3A_223 = tpu.memref_squeeze %dma_start3A_222 : memref<1x8x128xi32, #tpu.memory_space<vmem>> -> memref<8x128xi32, #tpu.memory_space<vmem>>
    %dma_start3A_224 = arith.constant 0 : i32
    %dma_start3A_225 = tpu.memref_slice %dma_start3A_223[%dma_start3A_213, %dma_start3A_224] : memref<8x128xi32, #tpu.memory_space<vmem>> -> memref<1x128xi32, #tpu.memory_space<vmem>>
    %dma_start3A_226 = tpu.memref_squeeze %dma_start3A_225 : memref<1x128xi32, #tpu.memory_space<vmem>> -> memref<128xi32, #tpu.memory_space<vmem>>
    %dma_start3A_227 = arith.constant 0 : i32
    %dma_start3A_228 = arith.constant 0 : i32
    %dma_start3A_229 = tpu.memref_slice %arg3[%dma_start3A_227, %dma_start3A_228] : memref<1000000x128xf32, #tpu.memory_space<hbm>> -> memref<1000000x128xf32, #tpu.memory_space<hbm>>
    %dma_start3A_230 = tpu.memref_slice %arg8[%dma_start3A_215] : memref<2x!tpu.dma_semaphore, #tpu.memory_space<semaphore_mem>> -> memref<1x!tpu.dma_semaphore, #tpu.memory_space<semaphore_mem>>
    %dma_start3A_231 = tpu.memref_squeeze %dma_start3A_230 : memref<1x!tpu.dma_semaphore, #tpu.memory_space<semaphore_mem>> -> memref<!tpu.dma_semaphore, #tpu.memory_space<semaphore_mem>>
    tpu.enqueue_indirect_dma source(%dma_start3A_229 : memref<1000000x128xf32, #tpu.memory_space<hbm>>) target(%dma_start3A_219 : memref<128x128xf32, #tpu.memory_space<vmem>>) offsets(%dma_start3A_226 : memref<128xi32, #tpu.memory_space<vmem>>) semaphore(%dma_start3A_231 : memref<!tpu.dma_semaphore, #tpu.memory_space<semaphore_mem>>)
    %scan3A_232 = arith.constant 0 : i32
    %scan3A_233 = arith.constant 1 : i32
    %scan3A_234 = arith.constant 1 : i32
    %scan3A_235 = arith.constant 0 : i32
    %scan3A_236 = arith.constant 128 : i32
    %scan3A_237 = arith.addi %scan3A_235, %scan3A_236 : i32
    %scan3A_238 = arith.constant 1 : i32
    scf.for %scan3A_390 = %scan3A_235 to %scan3A_237 step %scan3A_238  : i32 {
      %broadcast_in_dim3A = vector.broadcast %scan3A_390 : i32 to vector<16xi32>
      %get3A = arith.constant 0 : i32
      %get3A_391 = arith.constant 0 : i32
      %get3A_392 = tpu.memref_slice %arg6[%scan3A_233, %get3A, %get3A_391] : memref<2x128x128xf32, #tpu.memory_space<vmem>> -> memref<1x128x128xf32, #tpu.memory_space<vmem>>
      %get3A_393 = tpu.memref_squeeze %get3A_392 : memref<1x128x128xf32, #tpu.memory_space<vmem>> -> memref<128x128xf32, #tpu.memory_space<vmem>>
      %get3A_394 = arith.index_cast %scan3A_390 : i32 to index
      %get3A_395 = arith.constant 0 : index
      %get3A_396 = tpu.vector_load %get3A_393[%get3A_394, %get3A_395] {strides = array<i32>} : memref<128x128xf32, #tpu.memory_space<vmem>>, vector<16xf32>,
      %scatter3A = arith.constant 0 : i32
      %scatter3A_397 = arith.constant 0 : i32
      %scatter3A_398 = tpu.memref_slice %arg7[%scan3A_234, %scatter3A, %scatter3A_397] : memref<2x64x129xf32, #tpu.memory_space<vmem>> -> memref<1x64x129xf32, #tpu.memory_space<vmem>>
      %scatter3A_399 = tpu.memref_squeeze %scatter3A_398 : memref<1x64x129xf32, #tpu.memory_space<vmem>> -> memref<64x129xf32, #tpu.memory_space<vmem>>
      tpu.vector_store_idx %scatter3A_399[%add3A_5, %broadcast_in_dim3A], %get3A_396 : memref<64x129xf32, #tpu.memory_space<vmem>>[vector<16xi32>, vector<16xi32>], vector<16xf32>,
      %get3A_400 = arith.constant 0 : i32
      %get3A_401 = arith.constant 0 : i32
      %get3A_402 = tpu.memref_slice %arg6[%scan3A_233, %get3A_400, %get3A_401] : memref<2x128x128xf32, #tpu.memory_space<vmem>> -> memref<1x128x128xf32, #tpu.memory_space<vmem>>
      %get3A_403 = tpu.memref_squeeze %get3A_402 : memref<1x128x128xf32, #tpu.memory_space<vmem>> -> memref<128x128xf32, #tpu.memory_space<vmem>>
      %get3A_404 = arith.index_cast %scan3A_390 : i32 to index
      %get3A_405 = arith.constant 16 : index
      %get3A_406 = tpu.vector_load %get3A_403[%get3A_404, %get3A_405] {strides = array<i32>} : memref<128x128xf32, #tpu.memory_space<vmem>>, vector<16xf32>,
      %scatter3A_407 = arith.constant 0 : i32
      %scatter3A_408 = arith.constant 0 : i32
      %scatter3A_409 = tpu.memref_slice %arg7[%scan3A_234, %scatter3A_407, %scatter3A_408] : memref<2x64x129xf32, #tpu.memory_space<vmem>> -> memref<1x64x129xf32, #tpu.memory_space<vmem>>
      %scatter3A_410 = tpu.memref_squeeze %scatter3A_409 : memref<1x64x129xf32, #tpu.memory_space<vmem>> -> memref<64x129xf32, #tpu.memory_space<vmem>>
      tpu.vector_store_idx %scatter3A_410[%add3A_8, %broadcast_in_dim3A], %get3A_406 : memref<64x129xf32, #tpu.memory_space<vmem>>[vector<16xi32>, vector<16xi32>], vector<16xf32>,
      %get3A_411 = arith.constant 0 : i32
      %get3A_412 = arith.constant 0 : i32
      %get3A_413 = tpu.memref_slice %arg6[%scan3A_233, %get3A_411, %get3A_412] : memref<2x128x128xf32, #tpu.memory_space<vmem>> -> memref<1x128x128xf32, #tpu.memory_space<vmem>>
      %get3A_414 = tpu.memref_squeeze %get3A_413 : memref<1x128x128xf32, #tpu.memory_space<vmem>> -> memref<128x128xf32, #tpu.memory_space<vmem>>
      %get3A_415 = arith.index_cast %scan3A_390 : i32 to index
      %get3A_416 = arith.constant 32 : index
      %get3A_417 = tpu.vector_load %get3A_414[%get3A_415, %get3A_416] {strides = array<i32>} : memref<128x128xf32, #tpu.memory_space<vmem>>, vector<16xf32>,
      %scatter3A_418 = arith.constant 0 : i32
      %scatter3A_419 = arith.constant 0 : i32
      %scatter3A_420 = tpu.memref_slice %arg7[%scan3A_234, %scatter3A_418, %scatter3A_419] : memref<2x64x129xf32, #tpu.memory_space<vmem>> -> memref<1x64x129xf32, #tpu.memory_space<vmem>>
      %scatter3A_421 = tpu.memref_squeeze %scatter3A_420 : memref<1x64x129xf32, #tpu.memory_space<vmem>> -> memref<64x129xf32, #tpu.memory_space<vmem>>
      tpu.vector_store_idx %scatter3A_421[%add3A_11, %broadcast_in_dim3A], %get3A_417 : memref<64x129xf32, #tpu.memory_space<vmem>>[vector<16xi32>, vector<16xi32>], vector<16xf32>,
      %get3A_422 = arith.constant 0 : i32
      %get3A_423 = arith.constant 0 : i32
      %get3A_424 = tpu.memref_slice %arg6[%scan3A_233, %get3A_422, %get3A_423] : memref<2x128x128xf32, #tpu.memory_space<vmem>> -> memref<1x128x128xf32, #tpu.memory_space<vmem>>
      %get3A_425 = tpu.memref_squeeze %get3A_424 : memref<1x128x128xf32, #tpu.memory_space<vmem>> -> memref<128x128xf32, #tpu.memory_space<vmem>>
      %get3A_426 = arith.index_cast %scan3A_390 : i32 to index
      %get3A_427 = arith.constant 48 : index
      %get3A_428 = tpu.vector_load %get3A_425[%get3A_426, %get3A_427] {strides = array<i32>} : memref<128x128xf32, #tpu.memory_space<vmem>>, vector<16xf32>,
      %scatter3A_429 = arith.constant 0 : i32
      %scatter3A_430 = arith.constant 0 : i32
      %scatter3A_431 = tpu.memref_slice %arg7[%scan3A_234, %scatter3A_429, %scatter3A_430] : memref<2x64x129xf32, #tpu.memory_space<vmem>> -> memref<1x64x129xf32, #tpu.memory_space<vmem>>
      %scatter3A_432 = tpu.memref_squeeze %scatter3A_431 : memref<1x64x129xf32, #tpu.memory_space<vmem>> -> memref<64x129xf32, #tpu.memory_space<vmem>>
      tpu.vector_store_idx %scatter3A_432[%add3A_14, %broadcast_in_dim3A], %get3A_428 : memref<64x129xf32, #tpu.memory_space<vmem>>[vector<16xi32>, vector<16xi32>], vector<16xf32>,
    }
    %scan3A_239 = arith.constant 128 : i32
    %add3A_240 = arith.constant 0 : i32
    %add3A_241 = arith.addi %mul3A_2, %add3A_240 : i32
    %jit3A_242 = arith.constant 32 : i32
    %div3A_243 = arith.divsi %add3A_241, %jit3A_242 : i32
    %sign3A_244 = arith.constant 0 : i32
    %sign3A_245 = arith.cmpi sgt, %add3A_241, %sign3A_244 : i32
    %sign3A_246 = arith.extui %sign3A_245 : i1 to i32
    %sign3A_247 = arith.constant 0 : i32
    %sign3A_248 = arith.cmpi slt, %add3A_241, %sign3A_247 : i32
    %sign3A_249 = arith.extui %sign3A_248 : i1 to i32
    %sign3A_250 = arith.subi %sign3A_246, %sign3A_249 : i32
    %sign3A_251 = arith.constant 0 : i32
    %sign3A_252 = arith.cmpi sgt, %jit3A_242, %sign3A_251 : i32
    %sign3A_253 = arith.extui %sign3A_252 : i1 to i32
    %sign3A_254 = arith.constant 0 : i32
    %sign3A_255 = arith.cmpi slt, %jit3A_242, %sign3A_254 : i32
    %sign3A_256 = arith.extui %sign3A_255 : i1 to i32
    %sign3A_257 = arith.subi %sign3A_253, %sign3A_256 : i32
    %ne3A_258 = arith.cmpi ne, %sign3A_250, %sign3A_257 : i32
    %rem3A_259 = arith.remsi %add3A_241, %jit3A_242 : i32
    %ne3A_260 = arith.constant 0 : i32
    %ne3A_261 = arith.cmpi ne, %rem3A_259, %ne3A_260 : i32
    %and3A_262 = arith.andi %ne3A_258, %ne3A_261 : i1
    %sub3A_263 = arith.constant 1 : i32
    %sub3A_264 = arith.subi %div3A_243, %sub3A_263 : i32
    %select_n3A_265 = arith.select %and3A_262, %sub3A_264, %div3A_243 : i32
    %jit3A_266 = arith.constant 32 : i32
    %eq3A_267 = arith.constant 0 : i32
    %eq3A_268 = arith.cmpi eq, %jit3A_266, %eq3A_267 : i32
    %jit3A_269 = arith.constant 1 : i32
    %select_n3A_270 = arith.select %eq3A_268, %jit3A_269, %jit3A_266 : i32
    %rem3A_271 = arith.remsi %add3A_241, %select_n3A_270 : i32
    %ne3A_272 = arith.constant 0 : i32
    %ne3A_273 = arith.cmpi ne, %rem3A_271, %ne3A_272 : i32
    %lt3A_274 = arith.constant 0 : i32
    %lt3A_275 = arith.cmpi slt, %rem3A_271, %lt3A_274 : i32
    %lt3A_276 = arith.constant 0 : i32
    %lt3A_277 = arith.cmpi slt, %select_n3A_270, %lt3A_276 : i32
    %ne3A_278 = arith.xori %lt3A_275, %lt3A_277 : i1
    %and3A_279 = arith.andi %ne3A_278, %ne3A_273 : i1
    %add3A_280 = arith.addi %rem3A_271, %select_n3A_270 : i32
    %select_n3A_281 = arith.select %and3A_279, %add3A_280, %rem3A_271 : i32
    %mul3A_282 = arith.constant 8 : i32
    %mul3A_283 = arith.muli %select_n3A_265, %mul3A_282 : i32
    %add3A_284 = arith.constant 1 : i32
    %add3A_285 = arith.addi %mul3A_283, %add3A_284 : i32
    %mul3A_286 = arith.constant 128 : i32
    %mul3A_287 = arith.muli %select_n3A_281, %mul3A_286 : i32
    %dma_start3A_288 = arith.constant 1 : i32
    %dma_start3A_289 = arith.constant 1 : i32
    %dma_start3A_290 = arith.constant 0 : i32
    %dma_start3A_291 = arith.constant 0 : i32
    %dma_start3A_292 = tpu.memref_slice %arg7[%dma_start3A_288, %dma_start3A_290, %dma_start3A_291] : memref<2x64x129xf32, #tpu.memory_space<vmem>> -> memref<1x64x129xf32, #tpu.memory_space<vmem>>
    %dma_start3A_293 = tpu.memref_squeeze %dma_start3A_292 : memref<1x64x129xf32, #tpu.memory_space<vmem>> -> memref<64x129xf32, #tpu.memory_space<vmem>>
    %dma_start3A_294 = arith.constant 0 : i32
    %dma_start3A_295 = arith.constant 0 : i32
    %dma_start3A_296 = tpu.memref_slice %dma_start3A_293[%dma_start3A_294, %dma_start3A_295] : memref<64x129xf32, #tpu.memory_space<vmem>> -> memref<64x128xf32, #tpu.memory_space<vmem>>
    %dma_start3A_297 = arith.constant 0 : i32
    %dma_start3A_298 = arith.constant 0 : i32
    %dma_start3A_299 = tpu.memref_slice %arg4[%add3A_285, %dma_start3A_297, %dma_start3A_298] : memref<200x64x4096xf32, #tpu.memory_space<hbm>> -> memref<1x64x4096xf32, #tpu.memory_space<hbm>>
    %dma_start3A_300 = tpu.memref_squeeze %dma_start3A_299 : memref<1x64x4096xf32, #tpu.memory_space<hbm>> -> memref<64x4096xf32, #tpu.memory_space<hbm>>
    %dma_start3A_301 = arith.constant 0 : i32
    %dma_start3A_302 = tpu.memref_slice %dma_start3A_300[%dma_start3A_301, %mul3A_287] : memref<64x4096xf32, #tpu.memory_space<hbm>> -> memref<64x128xf32, #tpu.memory_space<hbm>>
    %dma_start3A_303 = tpu.memref_slice %arg9[%dma_start3A_289] : memref<2x!tpu.dma_semaphore, #tpu.memory_space<semaphore_mem>> -> memref<1x!tpu.dma_semaphore, #tpu.memory_space<semaphore_mem>>
    %dma_start3A_304 = tpu.memref_squeeze %dma_start3A_303 : memref<1x!tpu.dma_semaphore, #tpu.memory_space<semaphore_mem>> -> memref<!tpu.dma_semaphore, #tpu.memory_space<semaphore_mem>>
    %dma_start3A_305 = arith.constant 0 : i32
    %dma_start3A_306 = arith.constant 0 : i32
    %dma_start3A_307 = tpu.memref_slice %arg4[%add3A_285, %dma_start3A_305, %dma_start3A_306] : memref<200x64x4096xf32, #tpu.memory_space<hbm>> -> memref<1x64x4096xf32, #tpu.memory_space<hbm>>
    %dma_start3A_308 = tpu.memref_squeeze %dma_start3A_307 : memref<1x64x4096xf32, #tpu.memory_space<hbm>> -> memref<64x4096xf32, #tpu.memory_space<hbm>>
    %dma_start3A_309 = arith.constant 0 : i32
    %dma_start3A_310 = tpu.memref_slice %dma_start3A_308[%dma_start3A_309, %mul3A_287] : memref<64x4096xf32, #tpu.memory_space<hbm>> -> memref<64x128xf32, #tpu.memory_space<hbm>>
    %dma_start3A_311 = arith.constant 0 : i32
    %dma_start3A_312 = arith.constant 0 : i32
    %dma_start3A_313 = tpu.memref_slice %arg7[%dma_start3A_288, %dma_start3A_311, %dma_start3A_312] : memref<2x64x129xf32, #tpu.memory_space<vmem>> -> memref<1x64x129xf32, #tpu.memory_space<vmem>>
    %dma_start3A_314 = tpu.memref_squeeze %dma_start3A_313 : memref<1x64x129xf32, #tpu.memory_space<vmem>> -> memref<64x129xf32, #tpu.memory_space<vmem>>
    %dma_start3A_315 = arith.constant 0 : i32
    %dma_start3A_316 = arith.constant 0 : i32
    %dma_start3A_317 = tpu.memref_slice %dma_start3A_314[%dma_start3A_315, %dma_start3A_316] : memref<64x129xf32, #tpu.memory_space<vmem>> -> memref<64x128xf32, #tpu.memory_space<vmem>>
    tpu.enqueue_dma source(%dma_start3A_317 : memref<64x128xf32, #tpu.memory_space<vmem>>) target(%dma_start3A_310 : memref<64x128xf32, #tpu.memory_space<hbm>>) target_semaphore(%dma_start3A_304 : memref<!tpu.dma_semaphore, #tpu.memory_space<semaphore_mem>>)
    %scan3A_318 = arith.constant 0 : i32
    %scan3A_319 = arith.constant 0 : i32
    %scan3A_320 = arith.constant 99 : i32
    %scan3A_321 = arith.addi %scan3A_319, %scan3A_320 : i32
    %scan3A_322 = arith.constant 1 : i32
    scf.for %scan3A_390 = %scan3A_319 to %scan3A_321 step %scan3A_322  : i32 {
      %mul3A_391 = arith.constant 2 : i32
      %mul3A_392 = arith.muli %mul3A_391, %scan3A_390 : i32
      %add3A_393 = arith.constant 2 : i32
      %add3A_394 = arith.addi %mul3A_392, %add3A_393 : i32
      %add3A_395 = arith.constant 0 : i32
      %add3A_396 = arith.addi %add3A_394, %add3A_395 : i32
      %jit3A_397 = arith.constant 8 : i32
      %eq3A_398 = arith.constant 0 : i32
      %eq3A_399 = arith.cmpi eq, %jit3A_397, %eq3A_398 : i32
      %jit3A_400 = arith.constant 1 : i32
      %select_n3A_401 = arith.select %eq3A_399, %jit3A_400, %jit3A_397 : i32
      %rem3A_402 = arith.remsi %add3A_396, %select_n3A_401 : i32
      %ne3A_403 = arith.constant 0 : i32
      %ne3A_404 = arith.cmpi ne, %rem3A_402, %ne3A_403 : i32
      %lt3A_405 = arith.constant 0 : i32
      %lt3A_406 = arith.cmpi slt, %rem3A_402, %lt3A_405 : i32
      %lt3A_407 = arith.constant 0 : i32
      %lt3A_408 = arith.cmpi slt, %select_n3A_401, %lt3A_407 : i32
      %ne3A_409 = arith.xori %lt3A_406, %lt3A_408 : i1
      %and3A_410 = arith.andi %ne3A_409, %ne3A_404 : i1
      %add3A_411 = arith.addi %rem3A_402, %select_n3A_401 : i32
      %select_n3A_412 = arith.select %and3A_410, %add3A_411, %rem3A_402 : i32
      %jit3A_413 = arith.constant 8 : i32
      %div3A_414 = arith.divsi %add3A_396, %jit3A_413 : i32
      %sign3A_415 = arith.constant 0 : i32
      %sign3A_416 = arith.cmpi sgt, %add3A_396, %sign3A_415 : i32
      %sign3A_417 = arith.extui %sign3A_416 : i1 to i32
      %sign3A_418 = arith.constant 0 : i32
      %sign3A_419 = arith.cmpi slt, %add3A_396, %sign3A_418 : i32
      %sign3A_420 = arith.extui %sign3A_419 : i1 to i32
      %sign3A_421 = arith.subi %sign3A_417, %sign3A_420 : i32
      %sign3A_422 = arith.constant 0 : i32
      %sign3A_423 = arith.cmpi sgt, %jit3A_413, %sign3A_422 : i32
      %sign3A_424 = arith.extui %sign3A_423 : i1 to i32
      %sign3A_425 = arith.constant 0 : i32
      %sign3A_426 = arith.cmpi slt, %jit3A_413, %sign3A_425 : i32
      %sign3A_427 = arith.extui %sign3A_426 : i1 to i32
      %sign3A_428 = arith.subi %sign3A_424, %sign3A_427 : i32
      %ne3A_429 = arith.cmpi ne, %sign3A_421, %sign3A_428 : i32
      %rem3A_430 = arith.remsi %add3A_396, %jit3A_413 : i32
      %ne3A_431 = arith.constant 0 : i32
      %ne3A_432 = arith.cmpi ne, %rem3A_430, %ne3A_431 : i32
      %and3A_433 = arith.andi %ne3A_429, %ne3A_432 : i1
      %sub3A_434 = arith.constant 1 : i32
      %sub3A_435 = arith.subi %div3A_414, %sub3A_434 : i32
      %select_n3A_436 = arith.select %and3A_433, %sub3A_435, %div3A_414 : i32
      %jit3A_437 = arith.constant 2 : i32
      %eq3A_438 = arith.constant 0 : i32
      %eq3A_439 = arith.cmpi eq, %jit3A_437, %eq3A_438 : i32
      %jit3A_440 = arith.constant 1 : i32
      %select_n3A_441 = arith.select %eq3A_439, %jit3A_440, %jit3A_437 : i32
      %rem3A_442 = arith.remsi %select_n3A_436, %select_n3A_441 : i32
      %ne3A_443 = arith.constant 0 : i32
      %ne3A_444 = arith.cmpi ne, %rem3A_442, %ne3A_443 : i32
      %lt3A_445 = arith.constant 0 : i32
      %lt3A_446 = arith.cmpi slt, %rem3A_442, %lt3A_445 : i32
      %lt3A_447 = arith.constant 0 : i32
      %lt3A_448 = arith.cmpi slt, %select_n3A_441, %lt3A_447 : i32
      %ne3A_449 = arith.xori %lt3A_446, %lt3A_448 : i1
      %and3A_450 = arith.andi %ne3A_449, %ne3A_444 : i1
      %add3A_451 = arith.addi %rem3A_442, %select_n3A_441 : i32
      %select_n3A_452 = arith.select %and3A_450, %add3A_451, %rem3A_442 : i32
      %dma_wait3A_453 = arith.constant 0 : i32
      %dma_wait3A_454 = arith.constant 0 : i32
      %dma_wait3A_455 = arith.constant 0 : i32
      %dma_wait3A_456 = arith.constant 0 : i32
      %dma_wait3A_457 = tpu.memref_slice %arg6[%dma_wait3A_453, %dma_wait3A_455, %dma_wait3A_456] : memref<2x128x128xf32, #tpu.memory_space<vmem>> -> memref<1x128x128xf32, #tpu.memory_space<vmem>>
      %dma_wait3A_458 = tpu.memref_squeeze %dma_wait3A_457 : memref<1x128x128xf32, #tpu.memory_space<vmem>> -> memref<128x128xf32, #tpu.memory_space<vmem>>
      %dma_wait3A_459 = arith.constant 0 : i32
      %dma_wait3A_460 = arith.constant 0 : i32
      %dma_wait3A_461 = tpu.memref_slice %arg5[%select_n3A_452, %dma_wait3A_459, %dma_wait3A_460] : memref<2x8x128xi32, #tpu.memory_space<vmem>> -> memref<1x8x128xi32, #tpu.memory_space<vmem>>
      %dma_wait3A_462 = tpu.memref_squeeze %dma_wait3A_461 : memref<1x8x128xi32, #tpu.memory_space<vmem>> -> memref<8x128xi32, #tpu.memory_space<vmem>>
      %dma_wait3A_463 = arith.constant 0 : i32
      %dma_wait3A_464 = tpu.memref_slice %dma_wait3A_462[%select_n3A_412, %dma_wait3A_463] : memref<8x128xi32, #tpu.memory_space<vmem>> -> memref<1x128xi32, #tpu.memory_space<vmem>>
      %dma_wait3A_465 = tpu.memref_squeeze %dma_wait3A_464 : memref<1x128xi32, #tpu.memory_space<vmem>> -> memref<128xi32, #tpu.memory_space<vmem>>
      %dma_wait3A_466 = arith.constant 0 : i32
      %dma_wait3A_467 = arith.constant 0 : i32
      %dma_wait3A_468 = tpu.memref_slice %arg3[%dma_wait3A_466, %dma_wait3A_467] : memref<1000000x128xf32, #tpu.memory_space<hbm>> -> memref<1000000x128xf32, #tpu.memory_space<hbm>>
      %dma_wait3A_469 = tpu.memref_slice %arg8[%dma_wait3A_454] : memref<2x!tpu.dma_semaphore, #tpu.memory_space<semaphore_mem>> -> memref<1x!tpu.dma_semaphore, #tpu.memory_space<semaphore_mem>>
      %dma_wait3A_470 = tpu.memref_squeeze %dma_wait3A_469 : memref<1x!tpu.dma_semaphore, #tpu.memory_space<semaphore_mem>> -> memref<!tpu.dma_semaphore, #tpu.memory_space<semaphore_mem>>
      tpu.wait_indirect_dma semaphore(%dma_wait3A_470 : memref<!tpu.dma_semaphore, #tpu.memory_space<semaphore_mem>>) src(%dma_wait3A_468 : memref<1000000x128xf32, #tpu.memory_space<hbm>>) dst(%dma_wait3A_458 : memref<128x128xf32, #tpu.memory_space<vmem>>)
      %add3A_471 = arith.constant 1 : i32
      %add3A_472 = arith.addi %add3A_396, %add3A_471 : i32
      %jit3A_473 = arith.constant 8 : i32
      %eq3A_474 = arith.constant 0 : i32
      %eq3A_475 = arith.cmpi eq, %jit3A_473, %eq3A_474 : i32
      %jit3A_476 = arith.constant 1 : i32
      %select_n3A_477 = arith.select %eq3A_475, %jit3A_476, %jit3A_473 : i32
      %rem3A_478 = arith.remsi %add3A_472, %select_n3A_477 : i32
      %ne3A_479 = arith.constant 0 : i32
      %ne3A_480 = arith.cmpi ne, %rem3A_478, %ne3A_479 : i32
      %lt3A_481 = arith.constant 0 : i32
      %lt3A_482 = arith.cmpi slt, %rem3A_478, %lt3A_481 : i32
      %lt3A_483 = arith.constant 0 : i32
      %lt3A_484 = arith.cmpi slt, %select_n3A_477, %lt3A_483 : i32
      %ne3A_485 = arith.xori %lt3A_482, %lt3A_484 : i1
      %and3A_486 = arith.andi %ne3A_485, %ne3A_480 : i1
      %add3A_487 = arith.addi %rem3A_478, %select_n3A_477 : i32
      %select_n3A_488 = arith.select %and3A_486, %add3A_487, %rem3A_478 : i32
      %eq3A_489 = arith.constant 0 : i32
      %eq3A_490 = arith.cmpi eq, %select_n3A_488, %eq3A_489 : i32
      %lt3A_491 = arith.constant 200 : i32
      %lt3A_492 = arith.cmpi slt, %add3A_472, %lt3A_491 : i32
      %and3A_493 = arith.andi %eq3A_490, %lt3A_492 : i1
      %convert_element_type3A = arith.extui %and3A_493 : i1 to i32
      %cond3A = arith.constant 0 : i32
      %cond3A_494 = arith.cmpi ne, %convert_element_type3A, %cond3A : i32
      scf.if %cond3A_494 {
        %jit3A_925 = arith.constant 8 : i32
        %div3A_926 = arith.divsi %add3A_472, %jit3A_925 : i32
        %sign3A_927 = arith.constant 0 : i32
        %sign3A_928 = arith.cmpi sgt, %add3A_472, %sign3A_927 : i32
        %sign3A_929 = arith.extui %sign3A_928 : i1 to i32
        %sign3A_930 = arith.constant 0 : i32
        %sign3A_931 = arith.cmpi slt, %add3A_472, %sign3A_930 : i32
        %sign3A_932 = arith.extui %sign3A_931 : i1 to i32
        %sign3A_933 = arith.subi %sign3A_929, %sign3A_932 : i32
        %sign3A_934 = arith.constant 0 : i32
        %sign3A_935 = arith.cmpi sgt, %jit3A_925, %sign3A_934 : i32
        %sign3A_936 = arith.extui %sign3A_935 : i1 to i32
        %sign3A_937 = arith.constant 0 : i32
        %sign3A_938 = arith.cmpi slt, %jit3A_925, %sign3A_937 : i32
        %sign3A_939 = arith.extui %sign3A_938 : i1 to i32
        %sign3A_940 = arith.subi %sign3A_936, %sign3A_939 : i32
        %ne3A_941 = arith.cmpi ne, %sign3A_933, %sign3A_940 : i32
        %rem3A_942 = arith.remsi %add3A_472, %jit3A_925 : i32
        %ne3A_943 = arith.constant 0 : i32
        %ne3A_944 = arith.cmpi ne, %rem3A_942, %ne3A_943 : i32
        %and3A_945 = arith.andi %ne3A_941, %ne3A_944 : i1
        %sub3A_946 = arith.constant 1 : i32
        %sub3A_947 = arith.subi %div3A_926, %sub3A_946 : i32
        %select_n3A_948 = arith.select %and3A_945, %sub3A_947, %div3A_926 : i32
        %add3A_949 = arith.addi %mul3A_2, %select_n3A_948 : i32
        %jit3A_950 = arith.constant 8 : i32
        %div3A_951 = arith.divsi %add3A_472, %jit3A_950 : i32
        %sign3A_952 = arith.constant 0 : i32
        %sign3A_953 = arith.cmpi sgt, %add3A_472, %sign3A_952 : i32
        %sign3A_954 = arith.extui %sign3A_953 : i1 to i32
        %sign3A_955 = arith.constant 0 : i32
        %sign3A_956 = arith.cmpi slt, %add3A_472, %sign3A_955 : i32
        %sign3A_957 = arith.extui %sign3A_956 : i1 to i32
        %sign3A_958 = arith.subi %sign3A_954, %sign3A_957 : i32
        %sign3A_959 = arith.constant 0 : i32
        %sign3A_960 = arith.cmpi sgt, %jit3A_950, %sign3A_959 : i32
        %sign3A_961 = arith.extui %sign3A_960 : i1 to i32
        %sign3A_962 = arith.constant 0 : i32
        %sign3A_963 = arith.cmpi slt, %jit3A_950, %sign3A_962 : i32
        %sign3A_964 = arith.extui %sign3A_963 : i1 to i32
        %sign3A_965 = arith.subi %sign3A_961, %sign3A_964 : i32
        %ne3A_966 = arith.cmpi ne, %sign3A_958, %sign3A_965 : i32
        %rem3A_967 = arith.remsi %add3A_472, %jit3A_950 : i32
        %ne3A_968 = arith.constant 0 : i32
        %ne3A_969 = arith.cmpi ne, %rem3A_967, %ne3A_968 : i32
        %and3A_970 = arith.andi %ne3A_966, %ne3A_969 : i1
        %sub3A_971 = arith.constant 1 : i32
        %sub3A_972 = arith.subi %div3A_951, %sub3A_971 : i32
        %select_n3A_973 = arith.select %and3A_970, %sub3A_972, %div3A_951 : i32
        %jit3A_974 = arith.constant 2 : i32
        %eq3A_975 = arith.constant 0 : i32
        %eq3A_976 = arith.cmpi eq, %jit3A_974, %eq3A_975 : i32
        %jit3A_977 = arith.constant 1 : i32
        %select_n3A_978 = arith.select %eq3A_976, %jit3A_977, %jit3A_974 : i32
        %rem3A_979 = arith.remsi %select_n3A_973, %select_n3A_978 : i32
        %ne3A_980 = arith.constant 0 : i32
        %ne3A_981 = arith.cmpi ne, %rem3A_979, %ne3A_980 : i32
        %lt3A_982 = arith.constant 0 : i32
        %lt3A_983 = arith.cmpi slt, %rem3A_979, %lt3A_982 : i32
        %lt3A_984 = arith.constant 0 : i32
        %lt3A_985 = arith.cmpi slt, %select_n3A_978, %lt3A_984 : i32
        %ne3A_986 = arith.xori %lt3A_983, %lt3A_985 : i1
        %and3A_987 = arith.andi %ne3A_986, %ne3A_981 : i1
        %add3A_988 = arith.addi %rem3A_979, %select_n3A_978 : i32
        %select_n3A_989 = arith.select %and3A_987, %add3A_988, %rem3A_979 : i32
        %jit3A_990 = arith.constant 32 : i32
        %div3A_991 = arith.divsi %add3A_949, %jit3A_990 : i32
        %sign3A_992 = arith.constant 0 : i32
        %sign3A_993 = arith.cmpi sgt, %add3A_949, %sign3A_992 : i32
        %sign3A_994 = arith.extui %sign3A_993 : i1 to i32
        %sign3A_995 = arith.constant 0 : i32
        %sign3A_996 = arith.cmpi slt, %add3A_949, %sign3A_995 : i32
        %sign3A_997 = arith.extui %sign3A_996 : i1 to i32
        %sign3A_998 = arith.subi %sign3A_994, %sign3A_997 : i32
        %sign3A_999 = arith.constant 0 : i32
        %sign3A_1000 = arith.cmpi sgt, %jit3A_990, %sign3A_999 : i32
        %sign3A_1001 = arith.extui %sign3A_1000 : i1 to i32
        %sign3A_1002 = arith.constant 0 : i32
        %sign3A_1003 = arith.cmpi slt, %jit3A_990, %sign3A_1002 : i32
        %sign3A_1004 = arith.extui %sign3A_1003 : i1 to i32
        %sign3A_1005 = arith.subi %sign3A_1001, %sign3A_1004 : i32
        %ne3A_1006 = arith.cmpi ne, %sign3A_998, %sign3A_1005 : i32
        %rem3A_1007 = arith.remsi %add3A_949, %jit3A_990 : i32
        %ne3A_1008 = arith.constant 0 : i32
        %ne3A_1009 = arith.cmpi ne, %rem3A_1007, %ne3A_1008 : i32
        %and3A_1010 = arith.andi %ne3A_1006, %ne3A_1009 : i1
        %sub3A_1011 = arith.constant 1 : i32
        %sub3A_1012 = arith.subi %div3A_991, %sub3A_1011 : i32
        %select_n3A_1013 = arith.select %and3A_1010, %sub3A_1012, %div3A_991 : i32
        %jit3A_1014 = arith.constant 32 : i32
        %eq3A_1015 = arith.constant 0 : i32
        %eq3A_1016 = arith.cmpi eq, %jit3A_1014, %eq3A_1015 : i32
        %jit3A_1017 = arith.constant 1 : i32
        %select_n3A_1018 = arith.select %eq3A_1016, %jit3A_1017, %jit3A_1014 : i32
        %rem3A_1019 = arith.remsi %add3A_949, %select_n3A_1018 : i32
        %ne3A_1020 = arith.constant 0 : i32
        %ne3A_1021 = arith.cmpi ne, %rem3A_1019, %ne3A_1020 : i32
        %lt3A_1022 = arith.constant 0 : i32
        %lt3A_1023 = arith.cmpi slt, %rem3A_1019, %lt3A_1022 : i32
        %lt3A_1024 = arith.constant 0 : i32
        %lt3A_1025 = arith.cmpi slt, %select_n3A_1018, %lt3A_1024 : i32
        %ne3A_1026 = arith.xori %lt3A_1023, %lt3A_1025 : i1
        %and3A_1027 = arith.andi %ne3A_1026, %ne3A_1021 : i1
        %add3A_1028 = arith.addi %rem3A_1019, %select_n3A_1018 : i32
        %select_n3A_1029 = arith.select %and3A_1027, %add3A_1028, %rem3A_1019 : i32
        %mul3A_1030 = arith.constant 8 : i32
        %mul3A_1031 = arith.muli %select_n3A_1013, %mul3A_1030 : i32
        %mul3A_1032 = arith.constant 128 : i32
        %mul3A_1033 = arith.muli %select_n3A_1029, %mul3A_1032 : i32
        "tpu.region"() ({
          %run_scoped3A_1034 = tpu.sem_alloc : memref<!tpu.dma_semaphore, #tpu.memory_space<semaphore_mem>>
          %dma_start3A_1035 = arith.constant 0 : i32
          %dma_start3A_1036 = arith.constant 0 : i32
          %dma_start3A_1037 = tpu.memref_slice %arg5[%select_n3A_989, %dma_start3A_1035, %dma_start3A_1036] : memref<2x8x128xi32, #tpu.memory_space<vmem>> -> memref<1x8x128xi32, #tpu.memory_space<vmem>>
          %dma_start3A_1038 = tpu.memref_squeeze %dma_start3A_1037 : memref<1x8x128xi32, #tpu.memory_space<vmem>> -> memref<8x128xi32, #tpu.memory_space<vmem>>
          %dma_start3A_1039 = tpu.memref_slice %arg2[%mul3A_1031, %mul3A_1033] : memref<200x4096xi32, #tpu.memory_space<hbm>> -> memref<8x128xi32, #tpu.memory_space<hbm>>
          %dma_start3A_1040 = arith.constant 0 : i32
          %dma_start3A_1041 = arith.constant 0 : i32
          %dma_start3A_1042 = tpu.memref_slice %arg5[%select_n3A_989, %dma_start3A_1040, %dma_start3A_1041] : memref<2x8x128xi32, #tpu.memory_space<vmem>> -> memref<1x8x128xi32, #tpu.memory_space<vmem>>
          %dma_start3A_1043 = tpu.memref_squeeze %dma_start3A_1042 : memref<1x8x128xi32, #tpu.memory_space<vmem>> -> memref<8x128xi32, #tpu.memory_space<vmem>>
          %dma_start3A_1044 = tpu.memref_slice %arg2[%mul3A_1031, %mul3A_1033] : memref<200x4096xi32, #tpu.memory_space<hbm>> -> memref<8x128xi32, #tpu.memory_space<hbm>>
          tpu.enqueue_dma source(%dma_start3A_1044 : memref<8x128xi32, #tpu.memory_space<hbm>>) target(%dma_start3A_1043 : memref<8x128xi32, #tpu.memory_space<vmem>>) target_semaphore(%run_scoped3A_1034 : memref<!tpu.dma_semaphore, #tpu.memory_space<semaphore_mem>>)
          %dma_wait3A_1045 = arith.constant 0 : i32
          %dma_wait3A_1046 = arith.constant 0 : i32
          %dma_wait3A_1047 = tpu.memref_slice %arg5[%select_n3A_989, %dma_wait3A_1045, %dma_wait3A_1046] : memref<2x8x128xi32, #tpu.memory_space<vmem>> -> memref<1x8x128xi32, #tpu.memory_space<vmem>>
          %dma_wait3A_1048 = tpu.memref_squeeze %dma_wait3A_1047 : memref<1x8x128xi32, #tpu.memory_space<vmem>> -> memref<8x128xi32, #tpu.memory_space<vmem>>
          %dma_wait3A_1049 = tpu.memref_slice %arg2[%mul3A_1031, %mul3A_1033] : memref<200x4096xi32, #tpu.memory_space<hbm>> -> memref<8x128xi32, #tpu.memory_space<hbm>>
          %dma_wait3A_1050 = arith.constant 0 : i32
          %dma_wait3A_1051 = arith.constant 0 : i32
          %dma_wait3A_1052 = tpu.memref_slice %arg5[%select_n3A_989, %dma_wait3A_1050, %dma_wait3A_1051] : memref<2x8x128xi32, #tpu.memory_space<vmem>> -> memref<1x8x128xi32, #tpu.memory_space<vmem>>
          %dma_wait3A_1053 = tpu.memref_squeeze %dma_wait3A_1052 : memref<1x8x128xi32, #tpu.memory_space<vmem>> -> memref<8x128xi32, #tpu.memory_space<vmem>>
          %dma_wait3A_1054 = tpu.memref_slice %arg2[%mul3A_1031, %mul3A_1033] : memref<200x4096xi32, #tpu.memory_space<hbm>> -> memref<8x128xi32, #tpu.memory_space<hbm>>
          tpu.wait_dma2 semaphore(%run_scoped3A_1034 : memref<!tpu.dma_semaphore, #tpu.memory_space<semaphore_mem>>) src(%dma_wait3A_1054 : memref<8x128xi32, #tpu.memory_space<hbm>>) dst(%dma_wait3A_1053 : memref<8x128xi32, #tpu.memory_space<vmem>>)
          tpu.yield
        }) : () -> ()
      } else {
      }
      %lt3A_495 = arith.constant 200 : i32
      %lt3A_496 = arith.cmpi slt, %add3A_472, %lt3A_495 : i32
      %convert_element_type3A_497 = arith.extui %lt3A_496 : i1 to i32
      %cond3A_498 = arith.constant 0 : i32
      %cond3A_499 = arith.cmpi ne, %convert_element_type3A_497, %cond3A_498 : i32
      scf.if %cond3A_499 {
        %jit3A_925 = arith.constant 2 : i32
        %eq3A_926 = arith.constant 0 : i32
        %eq3A_927 = arith.cmpi eq, %jit3A_925, %eq3A_926 : i32
        %jit3A_928 = arith.constant 1 : i32
        %select_n3A_929 = arith.select %eq3A_927, %jit3A_928, %jit3A_925 : i32
        %rem3A_930 = arith.remsi %add3A_472, %select_n3A_929 : i32
        %ne3A_931 = arith.constant 0 : i32
        %ne3A_932 = arith.cmpi ne, %rem3A_930, %ne3A_931 : i32
        %lt3A_933 = arith.constant 0 : i32
        %lt3A_934 = arith.cmpi slt, %rem3A_930, %lt3A_933 : i32
        %lt3A_935 = arith.constant 0 : i32
        %lt3A_936 = arith.cmpi slt, %select_n3A_929, %lt3A_935 : i32
        %ne3A_937 = arith.xori %lt3A_934, %lt3A_936 : i1
        %and3A_938 = arith.andi %ne3A_937, %ne3A_932 : i1
        %add3A_939 = arith.addi %rem3A_930, %select_n3A_929 : i32
        %select_n3A_940 = arith.select %and3A_938, %add3A_939, %rem3A_930 : i32
        %jit3A_941 = arith.constant 8 : i32
        %eq3A_942 = arith.constant 0 : i32
        %eq3A_943 = arith.cmpi eq, %jit3A_941, %eq3A_942 : i32
        %jit3A_944 = arith.constant 1 : i32
        %select_n3A_945 = arith.select %eq3A_943, %jit3A_944, %jit3A_941 : i32
        %rem3A_946 = arith.remsi %add3A_472, %select_n3A_945 : i32
        %ne3A_947 = arith.constant 0 : i32
        %ne3A_948 = arith.cmpi ne, %rem3A_946, %ne3A_947 : i32
        %lt3A_949 = arith.constant 0 : i32
        %lt3A_950 = arith.cmpi slt, %rem3A_946, %lt3A_949 : i32
        %lt3A_951 = arith.constant 0 : i32
        %lt3A_952 = arith.cmpi slt, %select_n3A_945, %lt3A_951 : i32
        %ne3A_953 = arith.xori %lt3A_950, %lt3A_952 : i1
        %and3A_954 = arith.andi %ne3A_953, %ne3A_948 : i1
        %add3A_955 = arith.addi %rem3A_946, %select_n3A_945 : i32
        %select_n3A_956 = arith.select %and3A_954, %add3A_955, %rem3A_946 : i32
        %jit3A_957 = arith.constant 8 : i32
        %div3A_958 = arith.divsi %add3A_472, %jit3A_957 : i32
        %sign3A_959 = arith.constant 0 : i32
        %sign3A_960 = arith.cmpi sgt, %add3A_472, %sign3A_959 : i32
        %sign3A_961 = arith.extui %sign3A_960 : i1 to i32
        %sign3A_962 = arith.constant 0 : i32
        %sign3A_963 = arith.cmpi slt, %add3A_472, %sign3A_962 : i32
        %sign3A_964 = arith.extui %sign3A_963 : i1 to i32
        %sign3A_965 = arith.subi %sign3A_961, %sign3A_964 : i32
        %sign3A_966 = arith.constant 0 : i32
        %sign3A_967 = arith.cmpi sgt, %jit3A_957, %sign3A_966 : i32
        %sign3A_968 = arith.extui %sign3A_967 : i1 to i32
        %sign3A_969 = arith.constant 0 : i32
        %sign3A_970 = arith.cmpi slt, %jit3A_957, %sign3A_969 : i32
        %sign3A_971 = arith.extui %sign3A_970 : i1 to i32
        %sign3A_972 = arith.subi %sign3A_968, %sign3A_971 : i32
        %ne3A_973 = arith.cmpi ne, %sign3A_965, %sign3A_972 : i32
        %rem3A_974 = arith.remsi %add3A_472, %jit3A_957 : i32
        %ne3A_975 = arith.constant 0 : i32
        %ne3A_976 = arith.cmpi ne, %rem3A_974, %ne3A_975 : i32
        %and3A_977 = arith.andi %ne3A_973, %ne3A_976 : i1
        %sub3A_978 = arith.constant 1 : i32
        %sub3A_979 = arith.subi %div3A_958, %sub3A_978 : i32
        %select_n3A_980 = arith.select %and3A_977, %sub3A_979, %div3A_958 : i32
        %jit3A_981 = arith.constant 2 : i32
        %eq3A_982 = arith.constant 0 : i32
        %eq3A_983 = arith.cmpi eq, %jit3A_981, %eq3A_982 : i32
        %jit3A_984 = arith.constant 1 : i32
        %select_n3A_985 = arith.select %eq3A_983, %jit3A_984, %jit3A_981 : i32
        %rem3A_986 = arith.remsi %select_n3A_980, %select_n3A_985 : i32
        %ne3A_987 = arith.constant 0 : i32
        %ne3A_988 = arith.cmpi ne, %rem3A_986, %ne3A_987 : i32
        %lt3A_989 = arith.constant 0 : i32
        %lt3A_990 = arith.cmpi slt, %rem3A_986, %lt3A_989 : i32
        %lt3A_991 = arith.constant 0 : i32
        %lt3A_992 = arith.cmpi slt, %select_n3A_985, %lt3A_991 : i32
        %ne3A_993 = arith.xori %lt3A_990, %lt3A_992 : i1
        %and3A_994 = arith.andi %ne3A_993, %ne3A_988 : i1
        %add3A_995 = arith.addi %rem3A_986, %select_n3A_985 : i32
        %select_n3A_996 = arith.select %and3A_994, %add3A_995, %rem3A_986 : i32
        %dma_start3A_997 = arith.constant 0 : i32
        %dma_start3A_998 = arith.constant 0 : i32
        %dma_start3A_999 = tpu.memref_slice %arg6[%select_n3A_940, %dma_start3A_997, %dma_start3A_998] : memref<2x128x128xf32, #tpu.memory_space<vmem>> -> memref<1x128x128xf32, #tpu.memory_space<vmem>>
        %dma_start3A_1000 = tpu.memref_squeeze %dma_start3A_999 : memref<1x128x128xf32, #tpu.memory_space<vmem>> -> memref<128x128xf32, #tpu.memory_space<vmem>>
        %dma_start3A_1001 = arith.constant 0 : i32
        %dma_start3A_1002 = arith.constant 0 : i32
        %dma_start3A_1003 = tpu.memref_slice %arg5[%select_n3A_996, %dma_start3A_1001, %dma_start3A_1002] : memref<2x8x128xi32, #tpu.memory_space<vmem>> -> memref<1x8x128xi32, #tpu.memory_space<vmem>>
        %dma_start3A_1004 = tpu.memref_squeeze %dma_start3A_1003 : memref<1x8x128xi32, #tpu.memory_space<vmem>> -> memref<8x128xi32, #tpu.memory_space<vmem>>
        %dma_start3A_1005 = arith.constant 0 : i32
        %dma_start3A_1006 = tpu.memref_slice %dma_start3A_1004[%select_n3A_956, %dma_start3A_1005] : memref<8x128xi32, #tpu.memory_space<vmem>> -> memref<1x128xi32, #tpu.memory_space<vmem>>
        %dma_start3A_1007 = tpu.memref_squeeze %dma_start3A_1006 : memref<1x128xi32, #tpu.memory_space<vmem>> -> memref<128xi32, #tpu.memory_space<vmem>>
        %dma_start3A_1008 = arith.constant 0 : i32
        %dma_start3A_1009 = arith.constant 0 : i32
        %dma_start3A_1010 = tpu.memref_slice %arg3[%dma_start3A_1008, %dma_start3A_1009] : memref<1000000x128xf32, #tpu.memory_space<hbm>> -> memref<1000000x128xf32, #tpu.memory_space<hbm>>
        %dma_start3A_1011 = tpu.memref_slice %arg8[%select_n3A_940] : memref<2x!tpu.dma_semaphore, #tpu.memory_space<semaphore_mem>> -> memref<1x!tpu.dma_semaphore, #tpu.memory_space<semaphore_mem>>
        %dma_start3A_1012 = tpu.memref_squeeze %dma_start3A_1011 : memref<1x!tpu.dma_semaphore, #tpu.memory_space<semaphore_mem>> -> memref<!tpu.dma_semaphore, #tpu.memory_space<semaphore_mem>>
        tpu.enqueue_indirect_dma source(%dma_start3A_1010 : memref<1000000x128xf32, #tpu.memory_space<hbm>>) target(%dma_start3A_1000 : memref<128x128xf32, #tpu.memory_space<vmem>>) offsets(%dma_start3A_1007 : memref<128xi32, #tpu.memory_space<vmem>>) semaphore(%dma_start3A_1012 : memref<!tpu.dma_semaphore, #tpu.memory_space<semaphore_mem>>)
      } else {
      }
      %dma_wait3A_500 = arith.constant 0 : i32
      %dma_wait3A_501 = arith.constant 0 : i32
      %dma_wait3A_502 = arith.constant 0 : i32
      %dma_wait3A_503 = arith.constant 0 : i32
      %dma_wait3A_504 = arith.constant 0 : i32
      %dma_wait3A_505 = tpu.memref_slice %arg7[%dma_wait3A_500, %dma_wait3A_503, %dma_wait3A_504] : memref<2x64x129xf32, #tpu.memory_space<vmem>> -> memref<1x64x129xf32, #tpu.memory_space<vmem>>
      %dma_wait3A_506 = tpu.memref_squeeze %dma_wait3A_505 : memref<1x64x129xf32, #tpu.memory_space<vmem>> -> memref<64x129xf32, #tpu.memory_space<vmem>>
      %dma_wait3A_507 = arith.constant 0 : i32
      %dma_wait3A_508 = arith.constant 0 : i32
      %dma_wait3A_509 = tpu.memref_slice %dma_wait3A_506[%dma_wait3A_507, %dma_wait3A_508] : memref<64x129xf32, #tpu.memory_space<vmem>> -> memref<64x128xf32, #tpu.memory_space<vmem>>
      %dma_wait3A_510 = arith.constant 0 : i32
      %dma_wait3A_511 = arith.constant 0 : i32
      %dma_wait3A_512 = tpu.memref_slice %arg4[%dma_wait3A_501, %dma_wait3A_510, %dma_wait3A_511] : memref<200x64x4096xf32, #tpu.memory_space<hbm>> -> memref<1x64x4096xf32, #tpu.memory_space<hbm>>
      %dma_wait3A_513 = tpu.memref_squeeze %dma_wait3A_512 : memref<1x64x4096xf32, #tpu.memory_space<hbm>> -> memref<64x4096xf32, #tpu.memory_space<hbm>>
      %dma_wait3A_514 = arith.constant 0 : i32
      %dma_wait3A_515 = arith.constant 0 : i32
      %dma_wait3A_516 = tpu.memref_slice %dma_wait3A_513[%dma_wait3A_514, %dma_wait3A_515] : memref<64x4096xf32, #tpu.memory_space<hbm>> -> memref<64x128xf32, #tpu.memory_space<hbm>>
      %dma_wait3A_517 = tpu.memref_slice %arg9[%dma_wait3A_502] : memref<2x!tpu.dma_semaphore, #tpu.memory_space<semaphore_mem>> -> memref<1x!tpu.dma_semaphore, #tpu.memory_space<semaphore_mem>>
      %dma_wait3A_518 = tpu.memref_squeeze %dma_wait3A_517 : memref<1x!tpu.dma_semaphore, #tpu.memory_space<semaphore_mem>> -> memref<!tpu.dma_semaphore, #tpu.memory_space<semaphore_mem>>
      %dma_wait3A_519 = arith.constant 0 : i32
      %dma_wait3A_520 = arith.constant 0 : i32
      %dma_wait3A_521 = tpu.memref_slice %arg4[%dma_wait3A_501, %dma_wait3A_519, %dma_wait3A_520] : memref<200x64x4096xf32, #tpu.memory_space<hbm>> -> memref<1x64x4096xf32, #tpu.memory_space<hbm>>
      %dma_wait3A_522 = tpu.memref_squeeze %dma_wait3A_521 : memref<1x64x4096xf32, #tpu.memory_space<hbm>> -> memref<64x4096xf32, #tpu.memory_space<hbm>>
      %dma_wait3A_523 = arith.constant 0 : i32
      %dma_wait3A_524 = arith.constant 0 : i32
      %dma_wait3A_525 = tpu.memref_slice %dma_wait3A_522[%dma_wait3A_523, %dma_wait3A_524] : memref<64x4096xf32, #tpu.memory_space<hbm>> -> memref<64x128xf32, #tpu.memory_space<hbm>>
      %dma_wait3A_526 = arith.constant 0 : i32
      %dma_wait3A_527 = arith.constant 0 : i32
      %dma_wait3A_528 = tpu.memref_slice %arg7[%dma_wait3A_500, %dma_wait3A_526, %dma_wait3A_527] : memref<2x64x129xf32, #tpu.memory_space<vmem>> -> memref<1x64x129xf32, #tpu.memory_space<vmem>>
      %dma_wait3A_529 = tpu.memref_squeeze %dma_wait3A_528 : memref<1x64x129xf32, #tpu.memory_space<vmem>> -> memref<64x129xf32, #tpu.memory_space<vmem>>
      %dma_wait3A_530 = arith.constant 0 : i32
      %dma_wait3A_531 = arith.constant 0 : i32
      %dma_wait3A_532 = tpu.memref_slice %dma_wait3A_529[%dma_wait3A_530, %dma_wait3A_531] : memref<64x129xf32, #tpu.memory_space<vmem>> -> memref<64x128xf32, #tpu.memory_space<vmem>>
      tpu.wait_dma2 semaphore(%dma_wait3A_518 : memref<!tpu.dma_semaphore, #tpu.memory_space<semaphore_mem>>) src(%dma_wait3A_532 : memref<64x128xf32, #tpu.memory_space<vmem>>) dst(%dma_wait3A_525 : memref<64x128xf32, #tpu.memory_space<hbm>>)
      %scan3A_533 = arith.constant 0 : i32
      %scan3A_534 = arith.constant 0 : i32
      %scan3A_535 = arith.constant 0 : i32
      %scan3A_536 = arith.constant 0 : i32
      %scan3A_537 = arith.constant 128 : i32
      %scan3A_538 = arith.addi %scan3A_536, %scan3A_537 : i32
      %scan3A_539 = arith.constant 1 : i32
      scf.for %scan3A_925 = %scan3A_536 to %scan3A_538 step %scan3A_539  : i32 {
        %broadcast_in_dim3A = vector.broadcast %scan3A_925 : i32 to vector<16xi32>
        %get3A = arith.constant 0 : i32
        %get3A_926 = arith.constant 0 : i32
        %get3A_927 = tpu.memref_slice %arg6[%scan3A_534, %get3A, %get3A_926] : memref<2x128x128xf32, #tpu.memory_space<vmem>> -> memref<1x128x128xf32, #tpu.memory_space<vmem>>
        %get3A_928 = tpu.memref_squeeze %get3A_927 : memref<1x128x128xf32, #tpu.memory_space<vmem>> -> memref<128x128xf32, #tpu.memory_space<vmem>>
        %get3A_929 = arith.index_cast %scan3A_925 : i32 to index
        %get3A_930 = arith.constant 0 : index
        %get3A_931 = tpu.vector_load %get3A_928[%get3A_929, %get3A_930] {strides = array<i32>} : memref<128x128xf32, #tpu.memory_space<vmem>>, vector<16xf32>,
        %scatter3A = arith.constant 0 : i32
        %scatter3A_932 = arith.constant 0 : i32
        %scatter3A_933 = tpu.memref_slice %arg7[%scan3A_535, %scatter3A, %scatter3A_932] : memref<2x64x129xf32, #tpu.memory_space<vmem>> -> memref<1x64x129xf32, #tpu.memory_space<vmem>>
        %scatter3A_934 = tpu.memref_squeeze %scatter3A_933 : memref<1x64x129xf32, #tpu.memory_space<vmem>> -> memref<64x129xf32, #tpu.memory_space<vmem>>
        tpu.vector_store_idx %scatter3A_934[%add3A_5, %broadcast_in_dim3A], %get3A_931 : memref<64x129xf32, #tpu.memory_space<vmem>>[vector<16xi32>, vector<16xi32>], vector<16xf32>,
        %get3A_935 = arith.constant 0 : i32
        %get3A_936 = arith.constant 0 : i32
        %get3A_937 = tpu.memref_slice %arg6[%scan3A_534, %get3A_935, %get3A_936] : memref<2x128x128xf32, #tpu.memory_space<vmem>> -> memref<1x128x128xf32, #tpu.memory_space<vmem>>
        %get3A_938 = tpu.memref_squeeze %get3A_937 : memref<1x128x128xf32, #tpu.memory_space<vmem>> -> memref<128x128xf32, #tpu.memory_space<vmem>>
        %get3A_939 = arith.index_cast %scan3A_925 : i32 to index
        %get3A_940 = arith.constant 16 : index
        %get3A_941 = tpu.vector_load %get3A_938[%get3A_939, %get3A_940] {strides = array<i32>} : memref<128x128xf32, #tpu.memory_space<vmem>>, vector<16xf32>,
        %scatter3A_942 = arith.constant 0 : i32
        %scatter3A_943 = arith.constant 0 : i32
        %scatter3A_944 = tpu.memref_slice %arg7[%scan3A_535, %scatter3A_942, %scatter3A_943] : memref<2x64x129xf32, #tpu.memory_space<vmem>> -> memref<1x64x129xf32, #tpu.memory_space<vmem>>
        %scatter3A_945 = tpu.memref_squeeze %scatter3A_944 : memref<1x64x129xf32, #tpu.memory_space<vmem>> -> memref<64x129xf32, #tpu.memory_space<vmem>>
        tpu.vector_store_idx %scatter3A_945[%add3A_8, %broadcast_in_dim3A], %get3A_941 : memref<64x129xf32, #tpu.memory_space<vmem>>[vector<16xi32>, vector<16xi32>], vector<16xf32>,
        %get3A_946 = arith.constant 0 : i32
        %get3A_947 = arith.constant 0 : i32
        %get3A_948 = tpu.memref_slice %arg6[%scan3A_534, %get3A_946, %get3A_947] : memref<2x128x128xf32, #tpu.memory_space<vmem>> -> memref<1x128x128xf32, #tpu.memory_space<vmem>>
        %get3A_949 = tpu.memref_squeeze %get3A_948 : memref<1x128x128xf32, #tpu.memory_space<vmem>> -> memref<128x128xf32, #tpu.memory_space<vmem>>
        %get3A_950 = arith.index_cast %scan3A_925 : i32 to index
        %get3A_951 = arith.constant 32 : index
        %get3A_952 = tpu.vector_load %get3A_949[%get3A_950, %get3A_951] {strides = array<i32>} : memref<128x128xf32, #tpu.memory_space<vmem>>, vector<16xf32>,
        %scatter3A_953 = arith.constant 0 : i32
        %scatter3A_954 = arith.constant 0 : i32
        %scatter3A_955 = tpu.memref_slice %arg7[%scan3A_535, %scatter3A_953, %scatter3A_954] : memref<2x64x129xf32, #tpu.memory_space<vmem>> -> memref<1x64x129xf32, #tpu.memory_space<vmem>>
        %scatter3A_956 = tpu.memref_squeeze %scatter3A_955 : memref<1x64x129xf32, #tpu.memory_space<vmem>> -> memref<64x129xf32, #tpu.memory_space<vmem>>
        tpu.vector_store_idx %scatter3A_956[%add3A_11, %broadcast_in_dim3A], %get3A_952 : memref<64x129xf32, #tpu.memory_space<vmem>>[vector<16xi32>, vector<16xi32>], vector<16xf32>,
        %get3A_957 = arith.constant 0 : i32
        %get3A_958 = arith.constant 0 : i32
        %get3A_959 = tpu.memref_slice %arg6[%scan3A_534, %get3A_957, %get3A_958] : memref<2x128x128xf32, #tpu.memory_space<vmem>> -> memref<1x128x128xf32, #tpu.memory_space<vmem>>
        %get3A_960 = tpu.memref_squeeze %get3A_959 : memref<1x128x128xf32, #tpu.memory_space<vmem>> -> memref<128x128xf32, #tpu.memory_space<vmem>>
        %get3A_961 = arith.index_cast %scan3A_925 : i32 to index
        %get3A_962 = arith.constant 48 : index
        %get3A_963 = tpu.vector_load %get3A_960[%get3A_961, %get3A_962] {strides = array<i32>} : memref<128x128xf32, #tpu.memory_space<vmem>>, vector<16xf32>,
        %scatter3A_964 = arith.constant 0 : i32
        %scatter3A_965 = arith.constant 0 : i32
        %scatter3A_966 = tpu.memref_slice %arg7[%scan3A_535, %scatter3A_964, %scatter3A_965] : memref<2x64x129xf32, #tpu.memory_space<vmem>> -> memref<1x64x129xf32, #tpu.memory_space<vmem>>
        %scatter3A_967 = tpu.memref_squeeze %scatter3A_966 : memref<1x64x129xf32, #tpu.memory_space<vmem>> -> memref<64x129xf32, #tpu.memory_space<vmem>>
        tpu.vector_store_idx %scatter3A_967[%add3A_14, %broadcast_in_dim3A], %get3A_963 : memref<64x129xf32, #tpu.memory_space<vmem>>[vector<16xi32>, vector<16xi32>], vector<16xf32>,
      }
      %scan3A_540 = arith.constant 128 : i32
      %jit3A_541 = arith.constant 8 : i32
      %div3A_542 = arith.divsi %add3A_396, %jit3A_541 : i32
      %sign3A_543 = arith.constant 0 : i32
      %sign3A_544 = arith.cmpi sgt, %add3A_396, %sign3A_543 : i32
      %sign3A_545 = arith.extui %sign3A_544 : i1 to i32
      %sign3A_546 = arith.constant 0 : i32
      %sign3A_547 = arith.cmpi slt, %add3A_396, %sign3A_546 : i32
      %sign3A_548 = arith.extui %sign3A_547 : i1 to i32
      %sign3A_549 = arith.subi %sign3A_545, %sign3A_548 : i32
      %sign3A_550 = arith.constant 0 : i32
      %sign3A_551 = arith.cmpi sgt, %jit3A_541, %sign3A_550 : i32
      %sign3A_552 = arith.extui %sign3A_551 : i1 to i32
      %sign3A_553 = arith.constant 0 : i32
      %sign3A_554 = arith.cmpi slt, %jit3A_541, %sign3A_553 : i32
      %sign3A_555 = arith.extui %sign3A_554 : i1 to i32
      %sign3A_556 = arith.subi %sign3A_552, %sign3A_555 : i32
      %ne3A_557 = arith.cmpi ne, %sign3A_549, %sign3A_556 : i32
      %rem3A_558 = arith.remsi %add3A_396, %jit3A_541 : i32
      %ne3A_559 = arith.constant 0 : i32
      %ne3A_560 = arith.cmpi ne, %rem3A_558, %ne3A_559 : i32
      %and3A_561 = arith.andi %ne3A_557, %ne3A_560 : i1
      %sub3A_562 = arith.constant 1 : i32
      %sub3A_563 = arith.subi %div3A_542, %sub3A_562 : i32
      %select_n3A_564 = arith.select %and3A_561, %sub3A_563, %div3A_542 : i32
      %add3A_565 = arith.addi %mul3A_2, %select_n3A_564 : i32
      %jit3A_566 = arith.constant 8 : i32
      %eq3A_567 = arith.constant 0 : i32
      %eq3A_568 = arith.cmpi eq, %jit3A_566, %eq3A_567 : i32
      %jit3A_569 = arith.constant 1 : i32
      %select_n3A_570 = arith.select %eq3A_568, %jit3A_569, %jit3A_566 : i32
      %rem3A_571 = arith.remsi %add3A_396, %select_n3A_570 : i32
      %ne3A_572 = arith.constant 0 : i32
      %ne3A_573 = arith.cmpi ne, %rem3A_571, %ne3A_572 : i32
      %lt3A_574 = arith.constant 0 : i32
      %lt3A_575 = arith.cmpi slt, %rem3A_571, %lt3A_574 : i32
      %lt3A_576 = arith.constant 0 : i32
      %lt3A_577 = arith.cmpi slt, %select_n3A_570, %lt3A_576 : i32
      %ne3A_578 = arith.xori %lt3A_575, %lt3A_577 : i1
      %and3A_579 = arith.andi %ne3A_578, %ne3A_573 : i1
      %add3A_580 = arith.addi %rem3A_571, %select_n3A_570 : i32
      %select_n3A_581 = arith.select %and3A_579, %add3A_580, %rem3A_571 : i32
      %jit3A_582 = arith.constant 32 : i32
      %div3A_583 = arith.divsi %add3A_565, %jit3A_582 : i32
      %sign3A_584 = arith.constant 0 : i32
      %sign3A_585 = arith.cmpi sgt, %add3A_565, %sign3A_584 : i32
      %sign3A_586 = arith.extui %sign3A_585 : i1 to i32
      %sign3A_587 = arith.constant 0 : i32
      %sign3A_588 = arith.cmpi slt, %add3A_565, %sign3A_587 : i32
      %sign3A_589 = arith.extui %sign3A_588 : i1 to i32
      %sign3A_590 = arith.subi %sign3A_586, %sign3A_589 : i32
      %sign3A_591 = arith.constant 0 : i32
      %sign3A_592 = arith.cmpi sgt, %jit3A_582, %sign3A_591 : i32
      %sign3A_593 = arith.extui %sign3A_592 : i1 to i32
      %sign3A_594 = arith.constant 0 : i32
      %sign3A_595 = arith.cmpi slt, %jit3A_582, %sign3A_594 : i32
      %sign3A_596 = arith.extui %sign3A_595 : i1 to i32
      %sign3A_597 = arith.subi %sign3A_593, %sign3A_596 : i32
      %ne3A_598 = arith.cmpi ne, %sign3A_590, %sign3A_597 : i32
      %rem3A_599 = arith.remsi %add3A_565, %jit3A_582 : i32
      %ne3A_600 = arith.constant 0 : i32
      %ne3A_601 = arith.cmpi ne, %rem3A_599, %ne3A_600 : i32
      %and3A_602 = arith.andi %ne3A_598, %ne3A_601 : i1
      %sub3A_603 = arith.constant 1 : i32
      %sub3A_604 = arith.subi %div3A_583, %sub3A_603 : i32
      %select_n3A_605 = arith.select %and3A_602, %sub3A_604, %div3A_583 : i32
      %jit3A_606 = arith.constant 32 : i32
      %eq3A_607 = arith.constant 0 : i32
      %eq3A_608 = arith.cmpi eq, %jit3A_606, %eq3A_607 : i32
      %jit3A_609 = arith.constant 1 : i32
      %select_n3A_610 = arith.select %eq3A_608, %jit3A_609, %jit3A_606 : i32
      %rem3A_611 = arith.remsi %add3A_565, %select_n3A_610 : i32
      %ne3A_612 = arith.constant 0 : i32
      %ne3A_613 = arith.cmpi ne, %rem3A_611, %ne3A_612 : i32
      %lt3A_614 = arith.constant 0 : i32
      %lt3A_615 = arith.cmpi slt, %rem3A_611, %lt3A_614 : i32
      %lt3A_616 = arith.constant 0 : i32
      %lt3A_617 = arith.cmpi slt, %select_n3A_610, %lt3A_616 : i32
      %ne3A_618 = arith.xori %lt3A_615, %lt3A_617 : i1
      %and3A_619 = arith.andi %ne3A_618, %ne3A_613 : i1
      %add3A_620 = arith.addi %rem3A_611, %select_n3A_610 : i32
      %select_n3A_621 = arith.select %and3A_619, %add3A_620, %rem3A_611 : i32
      %mul3A_622 = arith.constant 8 : i32
      %mul3A_623 = arith.muli %select_n3A_605, %mul3A_622 : i32
      %add3A_624 = arith.addi %mul3A_623, %select_n3A_581 : i32
      %mul3A_625 = arith.constant 128 : i32
      %mul3A_626 = arith.muli %select_n3A_621, %mul3A_625 : i32
      %dma_start3A_627 = arith.constant 0 : i32
      %dma_start3A_628 = arith.constant 0 : i32
      %dma_start3A_629 = arith.constant 0 : i32
      %dma_start3A_630 = arith.constant 0 : i32
      %dma_start3A_631 = tpu.memref_slice %arg7[%dma_start3A_627, %dma_start3A_629, %dma_start3A_630] : memref<2x64x129xf32, #tpu.memory_space<vmem>> -> memref<1x64x129xf32, #tpu.memory_space<vmem>>
      %dma_start3A_632 = tpu.memref_squeeze %dma_start3A_631 : memref<1x64x129xf32, #tpu.memory_space<vmem>> -> memref<64x129xf32, #tpu.memory_space<vmem>>
      %dma_start3A_633 = arith.constant 0 : i32
      %dma_start3A_634 = arith.constant 0 : i32
      %dma_start3A_635 = tpu.memref_slice %dma_start3A_632[%dma_start3A_633, %dma_start3A_634] : memref<64x129xf32, #tpu.memory_space<vmem>> -> memref<64x128xf32, #tpu.memory_space<vmem>>
      %dma_start3A_636 = arith.constant 0 : i32
      %dma_start3A_637 = arith.constant 0 : i32
      %dma_start3A_638 = tpu.memref_slice %arg4[%add3A_624, %dma_start3A_636, %dma_start3A_637] : memref<200x64x4096xf32, #tpu.memory_space<hbm>> -> memref<1x64x4096xf32, #tpu.memory_space<hbm>>
      %dma_start3A_639 = tpu.memref_squeeze %dma_start3A_638 : memref<1x64x4096xf32, #tpu.memory_space<hbm>> -> memref<64x4096xf32, #tpu.memory_space<hbm>>
      %dma_start3A_640 = arith.constant 0 : i32
      %dma_start3A_641 = tpu.memref_slice %dma_start3A_639[%dma_start3A_640, %mul3A_626] : memref<64x4096xf32, #tpu.memory_space<hbm>> -> memref<64x128xf32, #tpu.memory_space<hbm>>
      %dma_start3A_642 = tpu.memref_slice %arg9[%dma_start3A_628] : memref<2x!tpu.dma_semaphore, #tpu.memory_space<semaphore_mem>> -> memref<1x!tpu.dma_semaphore, #tpu.memory_space<semaphore_mem>>
      %dma_start3A_643 = tpu.memref_squeeze %dma_start3A_642 : memref<1x!tpu.dma_semaphore, #tpu.memory_space<semaphore_mem>> -> memref<!tpu.dma_semaphore, #tpu.memory_space<semaphore_mem>>
      %dma_start3A_644 = arith.constant 0 : i32
      %dma_start3A_645 = arith.constant 0 : i32
      %dma_start3A_646 = tpu.memref_slice %arg4[%add3A_624, %dma_start3A_644, %dma_start3A_645] : memref<200x64x4096xf32, #tpu.memory_space<hbm>> -> memref<1x64x4096xf32, #tpu.memory_space<hbm>>
      %dma_start3A_647 = tpu.memref_squeeze %dma_start3A_646 : memref<1x64x4096xf32, #tpu.memory_space<hbm>> -> memref<64x4096xf32, #tpu.memory_space<hbm>>
      %dma_start3A_648 = arith.constant 0 : i32
      %dma_start3A_649 = tpu.memref_slice %dma_start3A_647[%dma_start3A_648, %mul3A_626] : memref<64x4096xf32, #tpu.memory_space<hbm>> -> memref<64x128xf32, #tpu.memory_space<hbm>>
      %dma_start3A_650 = arith.constant 0 : i32
      %dma_start3A_651 = arith.constant 0 : i32
      %dma_start3A_652 = tpu.memref_slice %arg7[%dma_start3A_627, %dma_start3A_650, %dma_start3A_651] : memref<2x64x129xf32, #tpu.memory_space<vmem>> -> memref<1x64x129xf32, #tpu.memory_space<vmem>>
      %dma_start3A_653 = tpu.memref_squeeze %dma_start3A_652 : memref<1x64x129xf32, #tpu.memory_space<vmem>> -> memref<64x129xf32, #tpu.memory_space<vmem>>
      %dma_start3A_654 = arith.constant 0 : i32
      %dma_start3A_655 = arith.constant 0 : i32
      %dma_start3A_656 = tpu.memref_slice %dma_start3A_653[%dma_start3A_654, %dma_start3A_655] : memref<64x129xf32, #tpu.memory_space<vmem>> -> memref<64x128xf32, #tpu.memory_space<vmem>>
      tpu.enqueue_dma source(%dma_start3A_656 : memref<64x128xf32, #tpu.memory_space<vmem>>) target(%dma_start3A_649 : memref<64x128xf32, #tpu.memory_space<hbm>>) target_semaphore(%dma_start3A_643 : memref<!tpu.dma_semaphore, #tpu.memory_space<semaphore_mem>>)
      %mul3A_657 = arith.constant 2 : i32
      %mul3A_658 = arith.muli %mul3A_657, %scan3A_390 : i32
      %add3A_659 = arith.constant 2 : i32
      %add3A_660 = arith.addi %mul3A_658, %add3A_659 : i32
      %add3A_661 = arith.constant 1 : i32
      %add3A_662 = arith.addi %add3A_660, %add3A_661 : i32
      %jit3A_663 = arith.constant 8 : i32
      %eq3A_664 = arith.constant 0 : i32
      %eq3A_665 = arith.cmpi eq, %jit3A_663, %eq3A_664 : i32
      %jit3A_666 = arith.constant 1 : i32
      %select_n3A_667 = arith.select %eq3A_665, %jit3A_666, %jit3A_663 : i32
      %rem3A_668 = arith.remsi %add3A_662, %select_n3A_667 : i32
      %ne3A_669 = arith.constant 0 : i32
      %ne3A_670 = arith.cmpi ne, %rem3A_668, %ne3A_669 : i32
      %lt3A_671 = arith.constant 0 : i32
      %lt3A_672 = arith.cmpi slt, %rem3A_668, %lt3A_671 : i32
      %lt3A_673 = arith.constant 0 : i32
      %lt3A_674 = arith.cmpi slt, %select_n3A_667, %lt3A_673 : i32
      %ne3A_675 = arith.xori %lt3A_672, %lt3A_674 : i1
      %and3A_676 = arith.andi %ne3A_675, %ne3A_670 : i1
      %add3A_677 = arith.addi %rem3A_668, %select_n3A_667 : i32
      %select_n3A_678 = arith.select %and3A_676, %add3A_677, %rem3A_668 : i32
      %jit3A_679 = arith.constant 8 : i32
      %div3A_680 = arith.divsi %add3A_662, %jit3A_679 : i32
      %sign3A_681 = arith.constant 0 : i32
      %sign3A_682 = arith.cmpi sgt, %add3A_662, %sign3A_681 : i32
      %sign3A_683 = arith.extui %sign3A_682 : i1 to i32
      %sign3A_684 = arith.constant 0 : i32
      %sign3A_685 = arith.cmpi slt, %add3A_662, %sign3A_684 : i32
      %sign3A_686 = arith.extui %sign3A_685 : i1 to i32
      %sign3A_687 = arith.subi %sign3A_683, %sign3A_686 : i32
      %sign3A_688 = arith.constant 0 : i32
      %sign3A_689 = arith.cmpi sgt, %jit3A_679, %sign3A_688 : i32
      %sign3A_690 = arith.extui %sign3A_689 : i1 to i32
      %sign3A_691 = arith.constant 0 : i32
      %sign3A_692 = arith.cmpi slt, %jit3A_679, %sign3A_691 : i32
      %sign3A_693 = arith.extui %sign3A_692 : i1 to i32
      %sign3A_694 = arith.subi %sign3A_690, %sign3A_693 : i32
      %ne3A_695 = arith.cmpi ne, %sign3A_687, %sign3A_694 : i32
      %rem3A_696 = arith.remsi %add3A_662, %jit3A_679 : i32
      %ne3A_697 = arith.constant 0 : i32
      %ne3A_698 = arith.cmpi ne, %rem3A_696, %ne3A_697 : i32
      %and3A_699 = arith.andi %ne3A_695, %ne3A_698 : i1
      %sub3A_700 = arith.constant 1 : i32
      %sub3A_701 = arith.subi %div3A_680, %sub3A_700 : i32
      %select_n3A_702 = arith.select %and3A_699, %sub3A_701, %div3A_680 : i32
      %jit3A_703 = arith.constant 2 : i32
      %eq3A_704 = arith.constant 0 : i32
      %eq3A_705 = arith.cmpi eq, %jit3A_703, %eq3A_704 : i32
      %jit3A_706 = arith.constant 1 : i32
      %select_n3A_707 = arith.select %eq3A_705, %jit3A_706, %jit3A_703 : i32
      %rem3A_708 = arith.remsi %select_n3A_702, %select_n3A_707 : i32
      %ne3A_709 = arith.constant 0 : i32
      %ne3A_710 = arith.cmpi ne, %rem3A_708, %ne3A_709 : i32
      %lt3A_711 = arith.constant 0 : i32
      %lt3A_712 = arith.cmpi slt, %rem3A_708, %lt3A_711 : i32
      %lt3A_713 = arith.constant 0 : i32
      %lt3A_714 = arith.cmpi slt, %select_n3A_707, %lt3A_713 : i32
      %ne3A_715 = arith.xori %lt3A_712, %lt3A_714 : i1
      %and3A_716 = arith.andi %ne3A_715, %ne3A_710 : i1
      %add3A_717 = arith.addi %rem3A_708, %select_n3A_707 : i32
      %select_n3A_718 = arith.select %and3A_716, %add3A_717, %rem3A_708 : i32
      %dma_wait3A_719 = arith.constant 1 : i32
      %dma_wait3A_720 = arith.constant 1 : i32
      %dma_wait3A_721 = arith.constant 0 : i32
      %dma_wait3A_722 = arith.constant 0 : i32
      %dma_wait3A_723 = tpu.memref_slice %arg6[%dma_wait3A_719, %dma_wait3A_721, %dma_wait3A_722] : memref<2x128x128xf32, #tpu.memory_space<vmem>> -> memref<1x128x128xf32, #tpu.memory_space<vmem>>
      %dma_wait3A_724 = tpu.memref_squeeze %dma_wait3A_723 : memref<1x128x128xf32, #tpu.memory_space<vmem>> -> memref<128x128xf32, #tpu.memory_space<vmem>>
      %dma_wait3A_725 = arith.constant 0 : i32
      %dma_wait3A_726 = arith.constant 0 : i32
      %dma_wait3A_727 = tpu.memref_slice %arg5[%select_n3A_718, %dma_wait3A_725, %dma_wait3A_726] : memref<2x8x128xi32, #tpu.memory_space<vmem>> -> memref<1x8x128xi32, #tpu.memory_space<vmem>>
      %dma_wait3A_728 = tpu.memref_squeeze %dma_wait3A_727 : memref<1x8x128xi32, #tpu.memory_space<vmem>> -> memref<8x128xi32, #tpu.memory_space<vmem>>
      %dma_wait3A_729 = arith.constant 0 : i32
      %dma_wait3A_730 = tpu.memref_slice %dma_wait3A_728[%select_n3A_678, %dma_wait3A_729] : memref<8x128xi32, #tpu.memory_space<vmem>> -> memref<1x128xi32, #tpu.memory_space<vmem>>
      %dma_wait3A_731 = tpu.memref_squeeze %dma_wait3A_730 : memref<1x128xi32, #tpu.memory_space<vmem>> -> memref<128xi32, #tpu.memory_space<vmem>>
      %dma_wait3A_732 = arith.constant 0 : i32
      %dma_wait3A_733 = arith.constant 0 : i32
      %dma_wait3A_734 = tpu.memref_slice %arg3[%dma_wait3A_732, %dma_wait3A_733] : memref<1000000x128xf32, #tpu.memory_space<hbm>> -> memref<1000000x128xf32, #tpu.memory_space<hbm>>
      %dma_wait3A_735 = tpu.memref_slice %arg8[%dma_wait3A_720] : memref<2x!tpu.dma_semaphore, #tpu.memory_space<semaphore_mem>> -> memref<1x!tpu.dma_semaphore, #tpu.memory_space<semaphore_mem>>
      %dma_wait3A_736 = tpu.memref_squeeze %dma_wait3A_735 : memref<1x!tpu.dma_semaphore, #tpu.memory_space<semaphore_mem>> -> memref<!tpu.dma_semaphore, #tpu.memory_space<semaphore_mem>>
      tpu.wait_indirect_dma semaphore(%dma_wait3A_736 : memref<!tpu.dma_semaphore, #tpu.memory_space<semaphore_mem>>) src(%dma_wait3A_734 : memref<1000000x128xf32, #tpu.memory_space<hbm>>) dst(%dma_wait3A_724 : memref<128x128xf32, #tpu.memory_space<vmem>>)
      %add3A_737 = arith.constant 1 : i32
      %add3A_738 = arith.addi %add3A_662, %add3A_737 : i32
      %jit3A_739 = arith.constant 8 : i32
      %eq3A_740 = arith.constant 0 : i32
      %eq3A_741 = arith.cmpi eq, %jit3A_739, %eq3A_740 : i32
      %jit3A_742 = arith.constant 1 : i32
      %select_n3A_743 = arith.select %eq3A_741, %jit3A_742, %jit3A_739 : i32
      %rem3A_744 = arith.remsi %add3A_738, %select_n3A_743 : i32
      %ne3A_745 = arith.constant 0 : i32
      %ne3A_746 = arith.cmpi ne, %rem3A_744, %ne3A_745 : i32
      %lt3A_747 = arith.constant 0 : i32
      %lt3A_748 = arith.cmpi slt, %rem3A_744, %lt3A_747 : i32
      %lt3A_749 = arith.constant 0 : i32
      %lt3A_750 = arith.cmpi slt, %select_n3A_743, %lt3A_749 : i32
      %ne3A_751 = arith.xori %lt3A_748, %lt3A_750 : i1
      %and3A_752 = arith.andi %ne3A_751, %ne3A_746 : i1
      %add3A_753 = arith.addi %rem3A_744, %select_n3A_743 : i32
      %select_n3A_754 = arith.select %and3A_752, %add3A_753, %rem3A_744 : i32
      %eq3A_755 = arith.constant 0 : i32
      %eq3A_756 = arith.cmpi eq, %select_n3A_754, %eq3A_755 : i32
      %lt3A_757 = arith.constant 200 : i32
      %lt3A_758 = arith.cmpi slt, %add3A_738, %lt3A_757 : i32
      %and3A_759 = arith.andi %eq3A_756, %lt3A_758 : i1
      %convert_element_type3A_760 = arith.extui %and3A_759 : i1 to i32
      %cond3A_761 = arith.constant 0 : i32
      %cond3A_762 = arith.cmpi ne, %convert_element_type3A_760, %cond3A_761 : i32
      scf.if %cond3A_762 {
        %jit3A_925 = arith.constant 8 : i32
        %div3A_926 = arith.divsi %add3A_738, %jit3A_925 : i32
        %sign3A_927 = arith.constant 0 : i32
        %sign3A_928 = arith.cmpi sgt, %add3A_738, %sign3A_927 : i32
        %sign3A_929 = arith.extui %sign3A_928 : i1 to i32
        %sign3A_930 = arith.constant 0 : i32
        %sign3A_931 = arith.cmpi slt, %add3A_738, %sign3A_930 : i32
        %sign3A_932 = arith.extui %sign3A_931 : i1 to i32
        %sign3A_933 = arith.subi %sign3A_929, %sign3A_932 : i32
        %sign3A_934 = arith.constant 0 : i32
        %sign3A_935 = arith.cmpi sgt, %jit3A_925, %sign3A_934 : i32
        %sign3A_936 = arith.extui %sign3A_935 : i1 to i32
        %sign3A_937 = arith.constant 0 : i32
        %sign3A_938 = arith.cmpi slt, %jit3A_925, %sign3A_937 : i32
        %sign3A_939 = arith.extui %sign3A_938 : i1 to i32
        %sign3A_940 = arith.subi %sign3A_936, %sign3A_939 : i32
        %ne3A_941 = arith.cmpi ne, %sign3A_933, %sign3A_940 : i32
        %rem3A_942 = arith.remsi %add3A_738, %jit3A_925 : i32
        %ne3A_943 = arith.constant 0 : i32
        %ne3A_944 = arith.cmpi ne, %rem3A_942, %ne3A_943 : i32
        %and3A_945 = arith.andi %ne3A_941, %ne3A_944 : i1
        %sub3A_946 = arith.constant 1 : i32
        %sub3A_947 = arith.subi %div3A_926, %sub3A_946 : i32
        %select_n3A_948 = arith.select %and3A_945, %sub3A_947, %div3A_926 : i32
        %add3A_949 = arith.addi %mul3A_2, %select_n3A_948 : i32
        %jit3A_950 = arith.constant 8 : i32
        %div3A_951 = arith.divsi %add3A_738, %jit3A_950 : i32
        %sign3A_952 = arith.constant 0 : i32
        %sign3A_953 = arith.cmpi sgt, %add3A_738, %sign3A_952 : i32
        %sign3A_954 = arith.extui %sign3A_953 : i1 to i32
        %sign3A_955 = arith.constant 0 : i32
        %sign3A_956 = arith.cmpi slt, %add3A_738, %sign3A_955 : i32
        %sign3A_957 = arith.extui %sign3A_956 : i1 to i32
        %sign3A_958 = arith.subi %sign3A_954, %sign3A_957 : i32
        %sign3A_959 = arith.constant 0 : i32
        %sign3A_960 = arith.cmpi sgt, %jit3A_950, %sign3A_959 : i32
        %sign3A_961 = arith.extui %sign3A_960 : i1 to i32
        %sign3A_962 = arith.constant 0 : i32
        %sign3A_963 = arith.cmpi slt, %jit3A_950, %sign3A_962 : i32
        %sign3A_964 = arith.extui %sign3A_963 : i1 to i32
        %sign3A_965 = arith.subi %sign3A_961, %sign3A_964 : i32
        %ne3A_966 = arith.cmpi ne, %sign3A_958, %sign3A_965 : i32
        %rem3A_967 = arith.remsi %add3A_738, %jit3A_950 : i32
        %ne3A_968 = arith.constant 0 : i32
        %ne3A_969 = arith.cmpi ne, %rem3A_967, %ne3A_968 : i32
        %and3A_970 = arith.andi %ne3A_966, %ne3A_969 : i1
        %sub3A_971 = arith.constant 1 : i32
        %sub3A_972 = arith.subi %div3A_951, %sub3A_971 : i32
        %select_n3A_973 = arith.select %and3A_970, %sub3A_972, %div3A_951 : i32
        %jit3A_974 = arith.constant 2 : i32
        %eq3A_975 = arith.constant 0 : i32
        %eq3A_976 = arith.cmpi eq, %jit3A_974, %eq3A_975 : i32
        %jit3A_977 = arith.constant 1 : i32
        %select_n3A_978 = arith.select %eq3A_976, %jit3A_977, %jit3A_974 : i32
        %rem3A_979 = arith.remsi %select_n3A_973, %select_n3A_978 : i32
        %ne3A_980 = arith.constant 0 : i32
        %ne3A_981 = arith.cmpi ne, %rem3A_979, %ne3A_980 : i32
        %lt3A_982 = arith.constant 0 : i32
        %lt3A_983 = arith.cmpi slt, %rem3A_979, %lt3A_982 : i32
        %lt3A_984 = arith.constant 0 : i32
        %lt3A_985 = arith.cmpi slt, %select_n3A_978, %lt3A_984 : i32
        %ne3A_986 = arith.xori %lt3A_983, %lt3A_985 : i1
        %and3A_987 = arith.andi %ne3A_986, %ne3A_981 : i1
        %add3A_988 = arith.addi %rem3A_979, %select_n3A_978 : i32
        %select_n3A_989 = arith.select %and3A_987, %add3A_988, %rem3A_979 : i32
        %jit3A_990 = arith.constant 32 : i32
        %div3A_991 = arith.divsi %add3A_949, %jit3A_990 : i32
        %sign3A_992 = arith.constant 0 : i32
        %sign3A_993 = arith.cmpi sgt, %add3A_949, %sign3A_992 : i32
        %sign3A_994 = arith.extui %sign3A_993 : i1 to i32
        %sign3A_995 = arith.constant 0 : i32
        %sign3A_996 = arith.cmpi slt, %add3A_949, %sign3A_995 : i32
        %sign3A_997 = arith.extui %sign3A_996 : i1 to i32
        %sign3A_998 = arith.subi %sign3A_994, %sign3A_997 : i32
        %sign3A_999 = arith.constant 0 : i32
        %sign3A_1000 = arith.cmpi sgt, %jit3A_990, %sign3A_999 : i32
        %sign3A_1001 = arith.extui %sign3A_1000 : i1 to i32
        %sign3A_1002 = arith.constant 0 : i32
        %sign3A_1003 = arith.cmpi slt, %jit3A_990, %sign3A_1002 : i32
        %sign3A_1004 = arith.extui %sign3A_1003 : i1 to i32
        %sign3A_1005 = arith.subi %sign3A_1001, %sign3A_1004 : i32
        %ne3A_1006 = arith.cmpi ne, %sign3A_998, %sign3A_1005 : i32
        %rem3A_1007 = arith.remsi %add3A_949, %jit3A_990 : i32
        %ne3A_1008 = arith.constant 0 : i32
        %ne3A_1009 = arith.cmpi ne, %rem3A_1007, %ne3A_1008 : i32
        %and3A_1010 = arith.andi %ne3A_1006, %ne3A_1009 : i1
        %sub3A_1011 = arith.constant 1 : i32
        %sub3A_1012 = arith.subi %div3A_991, %sub3A_1011 : i32
        %select_n3A_1013 = arith.select %and3A_1010, %sub3A_1012, %div3A_991 : i32
        %jit3A_1014 = arith.constant 32 : i32
        %eq3A_1015 = arith.constant 0 : i32
        %eq3A_1016 = arith.cmpi eq, %jit3A_1014, %eq3A_1015 : i32
        %jit3A_1017 = arith.constant 1 : i32
        %select_n3A_1018 = arith.select %eq3A_1016, %jit3A_1017, %jit3A_1014 : i32
        %rem3A_1019 = arith.remsi %add3A_949, %select_n3A_1018 : i32
        %ne3A_1020 = arith.constant 0 : i32
        %ne3A_1021 = arith.cmpi ne, %rem3A_1019, %ne3A_1020 : i32
        %lt3A_1022 = arith.constant 0 : i32
        %lt3A_1023 = arith.cmpi slt, %rem3A_1019, %lt3A_1022 : i32
        %lt3A_1024 = arith.constant 0 : i32
        %lt3A_1025 = arith.cmpi slt, %select_n3A_1018, %lt3A_1024 : i32
        %ne3A_1026 = arith.xori %lt3A_1023, %lt3A_1025 : i1
        %and3A_1027 = arith.andi %ne3A_1026, %ne3A_1021 : i1
        %add3A_1028 = arith.addi %rem3A_1019, %select_n3A_1018 : i32
        %select_n3A_1029 = arith.select %and3A_1027, %add3A_1028, %rem3A_1019 : i32
        %mul3A_1030 = arith.constant 8 : i32
        %mul3A_1031 = arith.muli %select_n3A_1013, %mul3A_1030 : i32
        %mul3A_1032 = arith.constant 128 : i32
        %mul3A_1033 = arith.muli %select_n3A_1029, %mul3A_1032 : i32
        "tpu.region"() ({
          %run_scoped3A_1034 = tpu.sem_alloc : memref<!tpu.dma_semaphore, #tpu.memory_space<semaphore_mem>>
          %dma_start3A_1035 = arith.constant 0 : i32
          %dma_start3A_1036 = arith.constant 0 : i32
          %dma_start3A_1037 = tpu.memref_slice %arg5[%select_n3A_989, %dma_start3A_1035, %dma_start3A_1036] : memref<2x8x128xi32, #tpu.memory_space<vmem>> -> memref<1x8x128xi32, #tpu.memory_space<vmem>>
          %dma_start3A_1038 = tpu.memref_squeeze %dma_start3A_1037 : memref<1x8x128xi32, #tpu.memory_space<vmem>> -> memref<8x128xi32, #tpu.memory_space<vmem>>
          %dma_start3A_1039 = tpu.memref_slice %arg2[%mul3A_1031, %mul3A_1033] : memref<200x4096xi32, #tpu.memory_space<hbm>> -> memref<8x128xi32, #tpu.memory_space<hbm>>
          %dma_start3A_1040 = arith.constant 0 : i32
          %dma_start3A_1041 = arith.constant 0 : i32
          %dma_start3A_1042 = tpu.memref_slice %arg5[%select_n3A_989, %dma_start3A_1040, %dma_start3A_1041] : memref<2x8x128xi32, #tpu.memory_space<vmem>> -> memref<1x8x128xi32, #tpu.memory_space<vmem>>
          %dma_start3A_1043 = tpu.memref_squeeze %dma_start3A_1042 : memref<1x8x128xi32, #tpu.memory_space<vmem>> -> memref<8x128xi32, #tpu.memory_space<vmem>>
          %dma_start3A_1044 = tpu.memref_slice %arg2[%mul3A_1031, %mul3A_1033] : memref<200x4096xi32, #tpu.memory_space<hbm>> -> memref<8x128xi32, #tpu.memory_space<hbm>>
          tpu.enqueue_dma source(%dma_start3A_1044 : memref<8x128xi32, #tpu.memory_space<hbm>>) target(%dma_start3A_1043 : memref<8x128xi32, #tpu.memory_space<vmem>>) target_semaphore(%run_scoped3A_1034 : memref<!tpu.dma_semaphore, #tpu.memory_space<semaphore_mem>>)
          %dma_wait3A_1045 = arith.constant 0 : i32
          %dma_wait3A_1046 = arith.constant 0 : i32
          %dma_wait3A_1047 = tpu.memref_slice %arg5[%select_n3A_989, %dma_wait3A_1045, %dma_wait3A_1046] : memref<2x8x128xi32, #tpu.memory_space<vmem>> -> memref<1x8x128xi32, #tpu.memory_space<vmem>>
          %dma_wait3A_1048 = tpu.memref_squeeze %dma_wait3A_1047 : memref<1x8x128xi32, #tpu.memory_space<vmem>> -> memref<8x128xi32, #tpu.memory_space<vmem>>
          %dma_wait3A_1049 = tpu.memref_slice %arg2[%mul3A_1031, %mul3A_1033] : memref<200x4096xi32, #tpu.memory_space<hbm>> -> memref<8x128xi32, #tpu.memory_space<hbm>>
          %dma_wait3A_1050 = arith.constant 0 : i32
          %dma_wait3A_1051 = arith.constant 0 : i32
          %dma_wait3A_1052 = tpu.memref_slice %arg5[%select_n3A_989, %dma_wait3A_1050, %dma_wait3A_1051] : memref<2x8x128xi32, #tpu.memory_space<vmem>> -> memref<1x8x128xi32, #tpu.memory_space<vmem>>
          %dma_wait3A_1053 = tpu.memref_squeeze %dma_wait3A_1052 : memref<1x8x128xi32, #tpu.memory_space<vmem>> -> memref<8x128xi32, #tpu.memory_space<vmem>>
          %dma_wait3A_1054 = tpu.memref_slice %arg2[%mul3A_1031, %mul3A_1033] : memref<200x4096xi32, #tpu.memory_space<hbm>> -> memref<8x128xi32, #tpu.memory_space<hbm>>
          tpu.wait_dma2 semaphore(%run_scoped3A_1034 : memref<!tpu.dma_semaphore, #tpu.memory_space<semaphore_mem>>) src(%dma_wait3A_1054 : memref<8x128xi32, #tpu.memory_space<hbm>>) dst(%dma_wait3A_1053 : memref<8x128xi32, #tpu.memory_space<vmem>>)
          tpu.yield
        }) : () -> ()
      } else {
      }
      %lt3A_763 = arith.constant 200 : i32
      %lt3A_764 = arith.cmpi slt, %add3A_738, %lt3A_763 : i32
      %convert_element_type3A_765 = arith.extui %lt3A_764 : i1 to i32
      %cond3A_766 = arith.constant 0 : i32
      %cond3A_767 = arith.cmpi ne, %convert_element_type3A_765, %cond3A_766 : i32
      scf.if %cond3A_767 {
        %jit3A_925 = arith.constant 2 : i32
        %eq3A_926 = arith.constant 0 : i32
        %eq3A_927 = arith.cmpi eq, %jit3A_925, %eq3A_926 : i32
        %jit3A_928 = arith.constant 1 : i32
        %select_n3A_929 = arith.select %eq3A_927, %jit3A_928, %jit3A_925 : i32
        %rem3A_930 = arith.remsi %add3A_738, %select_n3A_929 : i32
        %ne3A_931 = arith.constant 0 : i32
        %ne3A_932 = arith.cmpi ne, %rem3A_930, %ne3A_931 : i32
        %lt3A_933 = arith.constant 0 : i32
        %lt3A_934 = arith.cmpi slt, %rem3A_930, %lt3A_933 : i32
        %lt3A_935 = arith.constant 0 : i32
        %lt3A_936 = arith.cmpi slt, %select_n3A_929, %lt3A_935 : i32
        %ne3A_937 = arith.xori %lt3A_934, %lt3A_936 : i1
        %and3A_938 = arith.andi %ne3A_937, %ne3A_932 : i1
        %add3A_939 = arith.addi %rem3A_930, %select_n3A_929 : i32
        %select_n3A_940 = arith.select %and3A_938, %add3A_939, %rem3A_930 : i32
        %jit3A_941 = arith.constant 8 : i32
        %eq3A_942 = arith.constant 0 : i32
        %eq3A_943 = arith.cmpi eq, %jit3A_941, %eq3A_942 : i32
        %jit3A_944 = arith.constant 1 : i32
        %select_n3A_945 = arith.select %eq3A_943, %jit3A_944, %jit3A_941 : i32
        %rem3A_946 = arith.remsi %add3A_738, %select_n3A_945 : i32
        %ne3A_947 = arith.constant 0 : i32
        %ne3A_948 = arith.cmpi ne, %rem3A_946, %ne3A_947 : i32
        %lt3A_949 = arith.constant 0 : i32
        %lt3A_950 = arith.cmpi slt, %rem3A_946, %lt3A_949 : i32
        %lt3A_951 = arith.constant 0 : i32
        %lt3A_952 = arith.cmpi slt, %select_n3A_945, %lt3A_951 : i32
        %ne3A_953 = arith.xori %lt3A_950, %lt3A_952 : i1
        %and3A_954 = arith.andi %ne3A_953, %ne3A_948 : i1
        %add3A_955 = arith.addi %rem3A_946, %select_n3A_945 : i32
        %select_n3A_956 = arith.select %and3A_954, %add3A_955, %rem3A_946 : i32
        %jit3A_957 = arith.constant 8 : i32
        %div3A_958 = arith.divsi %add3A_738, %jit3A_957 : i32
        %sign3A_959 = arith.constant 0 : i32
        %sign3A_960 = arith.cmpi sgt, %add3A_738, %sign3A_959 : i32
        %sign3A_961 = arith.extui %sign3A_960 : i1 to i32
        %sign3A_962 = arith.constant 0 : i32
        %sign3A_963 = arith.cmpi slt, %add3A_738, %sign3A_962 : i32
        %sign3A_964 = arith.extui %sign3A_963 : i1 to i32
        %sign3A_965 = arith.subi %sign3A_961, %sign3A_964 : i32
        %sign3A_966 = arith.constant 0 : i32
        %sign3A_967 = arith.cmpi sgt, %jit3A_957, %sign3A_966 : i32
        %sign3A_968 = arith.extui %sign3A_967 : i1 to i32
        %sign3A_969 = arith.constant 0 : i32
        %sign3A_970 = arith.cmpi slt, %jit3A_957, %sign3A_969 : i32
        %sign3A_971 = arith.extui %sign3A_970 : i1 to i32
        %sign3A_972 = arith.subi %sign3A_968, %sign3A_971 : i32
        %ne3A_973 = arith.cmpi ne, %sign3A_965, %sign3A_972 : i32
        %rem3A_974 = arith.remsi %add3A_738, %jit3A_957 : i32
        %ne3A_975 = arith.constant 0 : i32
        %ne3A_976 = arith.cmpi ne, %rem3A_974, %ne3A_975 : i32
        %and3A_977 = arith.andi %ne3A_973, %ne3A_976 : i1
        %sub3A_978 = arith.constant 1 : i32
        %sub3A_979 = arith.subi %div3A_958, %sub3A_978 : i32
        %select_n3A_980 = arith.select %and3A_977, %sub3A_979, %div3A_958 : i32
        %jit3A_981 = arith.constant 2 : i32
        %eq3A_982 = arith.constant 0 : i32
        %eq3A_983 = arith.cmpi eq, %jit3A_981, %eq3A_982 : i32
        %jit3A_984 = arith.constant 1 : i32
        %select_n3A_985 = arith.select %eq3A_983, %jit3A_984, %jit3A_981 : i32
        %rem3A_986 = arith.remsi %select_n3A_980, %select_n3A_985 : i32
        %ne3A_987 = arith.constant 0 : i32
        %ne3A_988 = arith.cmpi ne, %rem3A_986, %ne3A_987 : i32
        %lt3A_989 = arith.constant 0 : i32
        %lt3A_990 = arith.cmpi slt, %rem3A_986, %lt3A_989 : i32
        %lt3A_991 = arith.constant 0 : i32
        %lt3A_992 = arith.cmpi slt, %select_n3A_985, %lt3A_991 : i32
        %ne3A_993 = arith.xori %lt3A_990, %lt3A_992 : i1
        %and3A_994 = arith.andi %ne3A_993, %ne3A_988 : i1
        %add3A_995 = arith.addi %rem3A_986, %select_n3A_985 : i32
        %select_n3A_996 = arith.select %and3A_994, %add3A_995, %rem3A_986 : i32
        %dma_start3A_997 = arith.constant 0 : i32
        %dma_start3A_998 = arith.constant 0 : i32
        %dma_start3A_999 = tpu.memref_slice %arg6[%select_n3A_940, %dma_start3A_997, %dma_start3A_998] : memref<2x128x128xf32, #tpu.memory_space<vmem>> -> memref<1x128x128xf32, #tpu.memory_space<vmem>>
        %dma_start3A_1000 = tpu.memref_squeeze %dma_start3A_999 : memref<1x128x128xf32, #tpu.memory_space<vmem>> -> memref<128x128xf32, #tpu.memory_space<vmem>>
        %dma_start3A_1001 = arith.constant 0 : i32
        %dma_start3A_1002 = arith.constant 0 : i32
        %dma_start3A_1003 = tpu.memref_slice %arg5[%select_n3A_996, %dma_start3A_1001, %dma_start3A_1002] : memref<2x8x128xi32, #tpu.memory_space<vmem>> -> memref<1x8x128xi32, #tpu.memory_space<vmem>>
        %dma_start3A_1004 = tpu.memref_squeeze %dma_start3A_1003 : memref<1x8x128xi32, #tpu.memory_space<vmem>> -> memref<8x128xi32, #tpu.memory_space<vmem>>
        %dma_start3A_1005 = arith.constant 0 : i32
        %dma_start3A_1006 = tpu.memref_slice %dma_start3A_1004[%select_n3A_956, %dma_start3A_1005] : memref<8x128xi32, #tpu.memory_space<vmem>> -> memref<1x128xi32, #tpu.memory_space<vmem>>
        %dma_start3A_1007 = tpu.memref_squeeze %dma_start3A_1006 : memref<1x128xi32, #tpu.memory_space<vmem>> -> memref<128xi32, #tpu.memory_space<vmem>>
        %dma_start3A_1008 = arith.constant 0 : i32
        %dma_start3A_1009 = arith.constant 0 : i32
        %dma_start3A_1010 = tpu.memref_slice %arg3[%dma_start3A_1008, %dma_start3A_1009] : memref<1000000x128xf32, #tpu.memory_space<hbm>> -> memref<1000000x128xf32, #tpu.memory_space<hbm>>
        %dma_start3A_1011 = tpu.memref_slice %arg8[%select_n3A_940] : memref<2x!tpu.dma_semaphore, #tpu.memory_space<semaphore_mem>> -> memref<1x!tpu.dma_semaphore, #tpu.memory_space<semaphore_mem>>
        %dma_start3A_1012 = tpu.memref_squeeze %dma_start3A_1011 : memref<1x!tpu.dma_semaphore, #tpu.memory_space<semaphore_mem>> -> memref<!tpu.dma_semaphore, #tpu.memory_space<semaphore_mem>>
        tpu.enqueue_indirect_dma source(%dma_start3A_1010 : memref<1000000x128xf32, #tpu.memory_space<hbm>>) target(%dma_start3A_1000 : memref<128x128xf32, #tpu.memory_space<vmem>>) offsets(%dma_start3A_1007 : memref<128xi32, #tpu.memory_space<vmem>>) semaphore(%dma_start3A_1012 : memref<!tpu.dma_semaphore, #tpu.memory_space<semaphore_mem>>)
      } else {
      }
      %dma_wait3A_768 = arith.constant 1 : i32
      %dma_wait3A_769 = arith.constant 0 : i32
      %dma_wait3A_770 = arith.constant 1 : i32
      %dma_wait3A_771 = arith.constant 0 : i32
      %dma_wait3A_772 = arith.constant 0 : i32
      %dma_wait3A_773 = tpu.memref_slice %arg7[%dma_wait3A_768, %dma_wait3A_771, %dma_wait3A_772] : memref<2x64x129xf32, #tpu.memory_space<vmem>> -> memref<1x64x129xf32, #tpu.memory_space<vmem>>
      %dma_wait3A_774 = tpu.memref_squeeze %dma_wait3A_773 : memref<1x64x129xf32, #tpu.memory_space<vmem>> -> memref<64x129xf32, #tpu.memory_space<vmem>>
      %dma_wait3A_775 = arith.constant 0 : i32
      %dma_wait3A_776 = arith.constant 0 : i32
      %dma_wait3A_777 = tpu.memref_slice %dma_wait3A_774[%dma_wait3A_775, %dma_wait3A_776] : memref<64x129xf32, #tpu.memory_space<vmem>> -> memref<64x128xf32, #tpu.memory_space<vmem>>
      %dma_wait3A_778 = arith.constant 0 : i32
      %dma_wait3A_779 = arith.constant 0 : i32
      %dma_wait3A_780 = tpu.memref_slice %arg4[%dma_wait3A_769, %dma_wait3A_778, %dma_wait3A_779] : memref<200x64x4096xf32, #tpu.memory_space<hbm>> -> memref<1x64x4096xf32, #tpu.memory_space<hbm>>
      %dma_wait3A_781 = tpu.memref_squeeze %dma_wait3A_780 : memref<1x64x4096xf32, #tpu.memory_space<hbm>> -> memref<64x4096xf32, #tpu.memory_space<hbm>>
      %dma_wait3A_782 = arith.constant 0 : i32
      %dma_wait3A_783 = arith.constant 0 : i32
      %dma_wait3A_784 = tpu.memref_slice %dma_wait3A_781[%dma_wait3A_782, %dma_wait3A_783] : memref<64x4096xf32, #tpu.memory_space<hbm>> -> memref<64x128xf32, #tpu.memory_space<hbm>>
      %dma_wait3A_785 = tpu.memref_slice %arg9[%dma_wait3A_770] : memref<2x!tpu.dma_semaphore, #tpu.memory_space<semaphore_mem>> -> memref<1x!tpu.dma_semaphore, #tpu.memory_space<semaphore_mem>>
      %dma_wait3A_786 = tpu.memref_squeeze %dma_wait3A_785 : memref<1x!tpu.dma_semaphore, #tpu.memory_space<semaphore_mem>> -> memref<!tpu.dma_semaphore, #tpu.memory_space<semaphore_mem>>
      %dma_wait3A_787 = arith.constant 0 : i32
      %dma_wait3A_788 = arith.constant 0 : i32
      %dma_wait3A_789 = tpu.memref_slice %arg4[%dma_wait3A_769, %dma_wait3A_787, %dma_wait3A_788] : memref<200x64x4096xf32, #tpu.memory_space<hbm>> -> memref<1x64x4096xf32, #tpu.memory_space<hbm>>
      %dma_wait3A_790 = tpu.memref_squeeze %dma_wait3A_789 : memref<1x64x4096xf32, #tpu.memory_space<hbm>> -> memref<64x4096xf32, #tpu.memory_space<hbm>>
      %dma_wait3A_791 = arith.constant 0 : i32
      %dma_wait3A_792 = arith.constant 0 : i32
      %dma_wait3A_793 = tpu.memref_slice %dma_wait3A_790[%dma_wait3A_791, %dma_wait3A_792] : memref<64x4096xf32, #tpu.memory_space<hbm>> -> memref<64x128xf32, #tpu.memory_space<hbm>>
      %dma_wait3A_794 = arith.constant 0 : i32
      %dma_wait3A_795 = arith.constant 0 : i32
      %dma_wait3A_796 = tpu.memref_slice %arg7[%dma_wait3A_768, %dma_wait3A_794, %dma_wait3A_795] : memref<2x64x129xf32, #tpu.memory_space<vmem>> -> memref<1x64x129xf32, #tpu.memory_space<vmem>>
      %dma_wait3A_797 = tpu.memref_squeeze %dma_wait3A_796 : memref<1x64x129xf32, #tpu.memory_space<vmem>> -> memref<64x129xf32, #tpu.memory_space<vmem>>
      %dma_wait3A_798 = arith.constant 0 : i32
      %dma_wait3A_799 = arith.constant 0 : i32
      %dma_wait3A_800 = tpu.memref_slice %dma_wait3A_797[%dma_wait3A_798, %dma_wait3A_799] : memref<64x129xf32, #tpu.memory_space<vmem>> -> memref<64x128xf32, #tpu.memory_space<vmem>>
      tpu.wait_dma2 semaphore(%dma_wait3A_786 : memref<!tpu.dma_semaphore, #tpu.memory_space<semaphore_mem>>) src(%dma_wait3A_800 : memref<64x128xf32, #tpu.memory_space<vmem>>) dst(%dma_wait3A_793 : memref<64x128xf32, #tpu.memory_space<hbm>>)
      %scan3A_801 = arith.constant 0 : i32
      %scan3A_802 = arith.constant 1 : i32
      %scan3A_803 = arith.constant 1 : i32
      %scan3A_804 = arith.constant 0 : i32
      %scan3A_805 = arith.constant 128 : i32
      %scan3A_806 = arith.addi %scan3A_804, %scan3A_805 : i32
      %scan3A_807 = arith.constant 1 : i32
      scf.for %scan3A_925 = %scan3A_804 to %scan3A_806 step %scan3A_807  : i32 {
        %broadcast_in_dim3A = vector.broadcast %scan3A_925 : i32 to vector<16xi32>
        %get3A = arith.constant 0 : i32
        %get3A_926 = arith.constant 0 : i32
        %get3A_927 = tpu.memref_slice %arg6[%scan3A_802, %get3A, %get3A_926] : memref<2x128x128xf32, #tpu.memory_space<vmem>> -> memref<1x128x128xf32, #tpu.memory_space<vmem>>
        %get3A_928 = tpu.memref_squeeze %get3A_927 : memref<1x128x128xf32, #tpu.memory_space<vmem>> -> memref<128x128xf32, #tpu.memory_space<vmem>>
        %get3A_929 = arith.index_cast %scan3A_925 : i32 to index
        %get3A_930 = arith.constant 0 : index
        %get3A_931 = tpu.vector_load %get3A_928[%get3A_929, %get3A_930] {strides = array<i32>} : memref<128x128xf32, #tpu.memory_space<vmem>>, vector<16xf32>,
        %scatter3A = arith.constant 0 : i32
        %scatter3A_932 = arith.constant 0 : i32
        %scatter3A_933 = tpu.memref_slice %arg7[%scan3A_803, %scatter3A, %scatter3A_932] : memref<2x64x129xf32, #tpu.memory_space<vmem>> -> memref<1x64x129xf32, #tpu.memory_space<vmem>>
        %scatter3A_934 = tpu.memref_squeeze %scatter3A_933 : memref<1x64x129xf32, #tpu.memory_space<vmem>> -> memref<64x129xf32, #tpu.memory_space<vmem>>
        tpu.vector_store_idx %scatter3A_934[%add3A_5, %broadcast_in_dim3A], %get3A_931 : memref<64x129xf32, #tpu.memory_space<vmem>>[vector<16xi32>, vector<16xi32>], vector<16xf32>,
        %get3A_935 = arith.constant 0 : i32
        %get3A_936 = arith.constant 0 : i32
        %get3A_937 = tpu.memref_slice %arg6[%scan3A_802, %get3A_935, %get3A_936] : memref<2x128x128xf32, #tpu.memory_space<vmem>> -> memref<1x128x128xf32, #tpu.memory_space<vmem>>
        %get3A_938 = tpu.memref_squeeze %get3A_937 : memref<1x128x128xf32, #tpu.memory_space<vmem>> -> memref<128x128xf32, #tpu.memory_space<vmem>>
        %get3A_939 = arith.index_cast %scan3A_925 : i32 to index
        %get3A_940 = arith.constant 16 : index
        %get3A_941 = tpu.vector_load %get3A_938[%get3A_939, %get3A_940] {strides = array<i32>} : memref<128x128xf32, #tpu.memory_space<vmem>>, vector<16xf32>,
        %scatter3A_942 = arith.constant 0 : i32
        %scatter3A_943 = arith.constant 0 : i32
        %scatter3A_944 = tpu.memref_slice %arg7[%scan3A_803, %scatter3A_942, %scatter3A_943] : memref<2x64x129xf32, #tpu.memory_space<vmem>> -> memref<1x64x129xf32, #tpu.memory_space<vmem>>
        %scatter3A_945 = tpu.memref_squeeze %scatter3A_944 : memref<1x64x129xf32, #tpu.memory_space<vmem>> -> memref<64x129xf32, #tpu.memory_space<vmem>>
        tpu.vector_store_idx %scatter3A_945[%add3A_8, %broadcast_in_dim3A], %get3A_941 : memref<64x129xf32, #tpu.memory_space<vmem>>[vector<16xi32>, vector<16xi32>], vector<16xf32>,
        %get3A_946 = arith.constant 0 : i32
        %get3A_947 = arith.constant 0 : i32
        %get3A_948 = tpu.memref_slice %arg6[%scan3A_802, %get3A_946, %get3A_947] : memref<2x128x128xf32, #tpu.memory_space<vmem>> -> memref<1x128x128xf32, #tpu.memory_space<vmem>>
        %get3A_949 = tpu.memref_squeeze %get3A_948 : memref<1x128x128xf32, #tpu.memory_space<vmem>> -> memref<128x128xf32, #tpu.memory_space<vmem>>
        %get3A_950 = arith.index_cast %scan3A_925 : i32 to index
        %get3A_951 = arith.constant 32 : index
        %get3A_952 = tpu.vector_load %get3A_949[%get3A_950, %get3A_951] {strides = array<i32>} : memref<128x128xf32, #tpu.memory_space<vmem>>, vector<16xf32>,
        %scatter3A_953 = arith.constant 0 : i32
        %scatter3A_954 = arith.constant 0 : i32
        %scatter3A_955 = tpu.memref_slice %arg7[%scan3A_803, %scatter3A_953, %scatter3A_954] : memref<2x64x129xf32, #tpu.memory_space<vmem>> -> memref<1x64x129xf32, #tpu.memory_space<vmem>>
        %scatter3A_956 = tpu.memref_squeeze %scatter3A_955 : memref<1x64x129xf32, #tpu.memory_space<vmem>> -> memref<64x129xf32, #tpu.memory_space<vmem>>
        tpu.vector_store_idx %scatter3A_956[%add3A_11, %broadcast_in_dim3A], %get3A_952 : memref<64x129xf32, #tpu.memory_space<vmem>>[vector<16xi32>, vector<16xi32>], vector<16xf32>,
        %get3A_957 = arith.constant 0 : i32
        %get3A_958 = arith.constant 0 : i32
        %get3A_959 = tpu.memref_slice %arg6[%scan3A_802, %get3A_957, %get3A_958] : memref<2x128x128xf32, #tpu.memory_space<vmem>> -> memref<1x128x128xf32, #tpu.memory_space<vmem>>
        %get3A_960 = tpu.memref_squeeze %get3A_959 : memref<1x128x128xf32, #tpu.memory_space<vmem>> -> memref<128x128xf32, #tpu.memory_space<vmem>>
        %get3A_961 = arith.index_cast %scan3A_925 : i32 to index
        %get3A_962 = arith.constant 48 : index
        %get3A_963 = tpu.vector_load %get3A_960[%get3A_961, %get3A_962] {strides = array<i32>} : memref<128x128xf32, #tpu.memory_space<vmem>>, vector<16xf32>,
        %scatter3A_964 = arith.constant 0 : i32
        %scatter3A_965 = arith.constant 0 : i32
        %scatter3A_966 = tpu.memref_slice %arg7[%scan3A_803, %scatter3A_964, %scatter3A_965] : memref<2x64x129xf32, #tpu.memory_space<vmem>> -> memref<1x64x129xf32, #tpu.memory_space<vmem>>
        %scatter3A_967 = tpu.memref_squeeze %scatter3A_966 : memref<1x64x129xf32, #tpu.memory_space<vmem>> -> memref<64x129xf32, #tpu.memory_space<vmem>>
        tpu.vector_store_idx %scatter3A_967[%add3A_14, %broadcast_in_dim3A], %get3A_963 : memref<64x129xf32, #tpu.memory_space<vmem>>[vector<16xi32>, vector<16xi32>], vector<16xf32>,
      }
      %scan3A_808 = arith.constant 128 : i32
      %jit3A_809 = arith.constant 8 : i32
      %div3A_810 = arith.divsi %add3A_662, %jit3A_809 : i32
      %sign3A_811 = arith.constant 0 : i32
      %sign3A_812 = arith.cmpi sgt, %add3A_662, %sign3A_811 : i32
      %sign3A_813 = arith.extui %sign3A_812 : i1 to i32
      %sign3A_814 = arith.constant 0 : i32
      %sign3A_815 = arith.cmpi slt, %add3A_662, %sign3A_814 : i32
      %sign3A_816 = arith.extui %sign3A_815 : i1 to i32
      %sign3A_817 = arith.subi %sign3A_813, %sign3A_816 : i32
      %sign3A_818 = arith.constant 0 : i32
      %sign3A_819 = arith.cmpi sgt, %jit3A_809, %sign3A_818 : i32
      %sign3A_820 = arith.extui %sign3A_819 : i1 to i32
      %sign3A_821 = arith.constant 0 : i32
      %sign3A_822 = arith.cmpi slt, %jit3A_809, %sign3A_821 : i32
      %sign3A_823 = arith.extui %sign3A_822 : i1 to i32
      %sign3A_824 = arith.subi %sign3A_820, %sign3A_823 : i32
      %ne3A_825 = arith.cmpi ne, %sign3A_817, %sign3A_824 : i32
      %rem3A_826 = arith.remsi %add3A_662, %jit3A_809 : i32
      %ne3A_827 = arith.constant 0 : i32
      %ne3A_828 = arith.cmpi ne, %rem3A_826, %ne3A_827 : i32
      %and3A_829 = arith.andi %ne3A_825, %ne3A_828 : i1
      %sub3A_830 = arith.constant 1 : i32
      %sub3A_831 = arith.subi %div3A_810, %sub3A_830 : i32
      %select_n3A_832 = arith.select %and3A_829, %sub3A_831, %div3A_810 : i32
      %add3A_833 = arith.addi %mul3A_2, %select_n3A_832 : i32
      %jit3A_834 = arith.constant 8 : i32
      %eq3A_835 = arith.constant 0 : i32
      %eq3A_836 = arith.cmpi eq, %jit3A_834, %eq3A_835 : i32
      %jit3A_837 = arith.constant 1 : i32
      %select_n3A_838 = arith.select %eq3A_836, %jit3A_837, %jit3A_834 : i32
      %rem3A_839 = arith.remsi %add3A_662, %select_n3A_838 : i32
      %ne3A_840 = arith.constant 0 : i32
      %ne3A_841 = arith.cmpi ne, %rem3A_839, %ne3A_840 : i32
      %lt3A_842 = arith.constant 0 : i32
      %lt3A_843 = arith.cmpi slt, %rem3A_839, %lt3A_842 : i32
      %lt3A_844 = arith.constant 0 : i32
      %lt3A_845 = arith.cmpi slt, %select_n3A_838, %lt3A_844 : i32
      %ne3A_846 = arith.xori %lt3A_843, %lt3A_845 : i1
      %and3A_847 = arith.andi %ne3A_846, %ne3A_841 : i1
      %add3A_848 = arith.addi %rem3A_839, %select_n3A_838 : i32
      %select_n3A_849 = arith.select %and3A_847, %add3A_848, %rem3A_839 : i32
      %jit3A_850 = arith.constant 32 : i32
      %div3A_851 = arith.divsi %add3A_833, %jit3A_850 : i32
      %sign3A_852 = arith.constant 0 : i32
      %sign3A_853 = arith.cmpi sgt, %add3A_833, %sign3A_852 : i32
      %sign3A_854 = arith.extui %sign3A_853 : i1 to i32
      %sign3A_855 = arith.constant 0 : i32
      %sign3A_856 = arith.cmpi slt, %add3A_833, %sign3A_855 : i32
      %sign3A_857 = arith.extui %sign3A_856 : i1 to i32
      %sign3A_858 = arith.subi %sign3A_854, %sign3A_857 : i32
      %sign3A_859 = arith.constant 0 : i32
      %sign3A_860 = arith.cmpi sgt, %jit3A_850, %sign3A_859 : i32
      %sign3A_861 = arith.extui %sign3A_860 : i1 to i32
      %sign3A_862 = arith.constant 0 : i32
      %sign3A_863 = arith.cmpi slt, %jit3A_850, %sign3A_862 : i32
      %sign3A_864 = arith.extui %sign3A_863 : i1 to i32
      %sign3A_865 = arith.subi %sign3A_861, %sign3A_864 : i32
      %ne3A_866 = arith.cmpi ne, %sign3A_858, %sign3A_865 : i32
      %rem3A_867 = arith.remsi %add3A_833, %jit3A_850 : i32
      %ne3A_868 = arith.constant 0 : i32
      %ne3A_869 = arith.cmpi ne, %rem3A_867, %ne3A_868 : i32
      %and3A_870 = arith.andi %ne3A_866, %ne3A_869 : i1
      %sub3A_871 = arith.constant 1 : i32
      %sub3A_872 = arith.subi %div3A_851, %sub3A_871 : i32
      %select_n3A_873 = arith.select %and3A_870, %sub3A_872, %div3A_851 : i32
      %jit3A_874 = arith.constant 32 : i32
      %eq3A_875 = arith.constant 0 : i32
      %eq3A_876 = arith.cmpi eq, %jit3A_874, %eq3A_875 : i32
      %jit3A_877 = arith.constant 1 : i32
      %select_n3A_878 = arith.select %eq3A_876, %jit3A_877, %jit3A_874 : i32
      %rem3A_879 = arith.remsi %add3A_833, %select_n3A_878 : i32
      %ne3A_880 = arith.constant 0 : i32
      %ne3A_881 = arith.cmpi ne, %rem3A_879, %ne3A_880 : i32
      %lt3A_882 = arith.constant 0 : i32
      %lt3A_883 = arith.cmpi slt, %rem3A_879, %lt3A_882 : i32
      %lt3A_884 = arith.constant 0 : i32
      %lt3A_885 = arith.cmpi slt, %select_n3A_878, %lt3A_884 : i32
      %ne3A_886 = arith.xori %lt3A_883, %lt3A_885 : i1
      %and3A_887 = arith.andi %ne3A_886, %ne3A_881 : i1
      %add3A_888 = arith.addi %rem3A_879, %select_n3A_878 : i32
      %select_n3A_889 = arith.select %and3A_887, %add3A_888, %rem3A_879 : i32
      %mul3A_890 = arith.constant 8 : i32
      %mul3A_891 = arith.muli %select_n3A_873, %mul3A_890 : i32
      %add3A_892 = arith.addi %mul3A_891, %select_n3A_849 : i32
      %mul3A_893 = arith.constant 128 : i32
      %mul3A_894 = arith.muli %select_n3A_889, %mul3A_893 : i32
      %dma_start3A_895 = arith.constant 1 : i32
      %dma_start3A_896 = arith.constant 1 : i32
      %dma_start3A_897 = arith.constant 0 : i32
      %dma_start3A_898 = arith.constant 0 : i32
      %dma_start3A_899 = tpu.memref_slice %arg7[%dma_start3A_895, %dma_start3A_897, %dma_start3A_898] : memref<2x64x129xf32, #tpu.memory_space<vmem>> -> memref<1x64x129xf32, #tpu.memory_space<vmem>>
      %dma_start3A_900 = tpu.memref_squeeze %dma_start3A_899 : memref<1x64x129xf32, #tpu.memory_space<vmem>> -> memref<64x129xf32, #tpu.memory_space<vmem>>
      %dma_start3A_901 = arith.constant 0 : i32
      %dma_start3A_902 = arith.constant 0 : i32
      %dma_start3A_903 = tpu.memref_slice %dma_start3A_900[%dma_start3A_901, %dma_start3A_902] : memref<64x129xf32, #tpu.memory_space<vmem>> -> memref<64x128xf32, #tpu.memory_space<vmem>>
      %dma_start3A_904 = arith.constant 0 : i32
      %dma_start3A_905 = arith.constant 0 : i32
      %dma_start3A_906 = tpu.memref_slice %arg4[%add3A_892, %dma_start3A_904, %dma_start3A_905] : memref<200x64x4096xf32, #tpu.memory_space<hbm>> -> memref<1x64x4096xf32, #tpu.memory_space<hbm>>
      %dma_start3A_907 = tpu.memref_squeeze %dma_start3A_906 : memref<1x64x4096xf32, #tpu.memory_space<hbm>> -> memref<64x4096xf32, #tpu.memory_space<hbm>>
      %dma_start3A_908 = arith.constant 0 : i32
      %dma_start3A_909 = tpu.memref_slice %dma_start3A_907[%dma_start3A_908, %mul3A_894] : memref<64x4096xf32, #tpu.memory_space<hbm>> -> memref<64x128xf32, #tpu.memory_space<hbm>>
      %dma_start3A_910 = tpu.memref_slice %arg9[%dma_start3A_896] : memref<2x!tpu.dma_semaphore, #tpu.memory_space<semaphore_mem>> -> memref<1x!tpu.dma_semaphore, #tpu.memory_space<semaphore_mem>>
      %dma_start3A_911 = tpu.memref_squeeze %dma_start3A_910 : memref<1x!tpu.dma_semaphore, #tpu.memory_space<semaphore_mem>> -> memref<!tpu.dma_semaphore, #tpu.memory_space<semaphore_mem>>
      %dma_start3A_912 = arith.constant 0 : i32
      %dma_start3A_913 = arith.constant 0 : i32
      %dma_start3A_914 = tpu.memref_slice %arg4[%add3A_892, %dma_start3A_912, %dma_start3A_913] : memref<200x64x4096xf32, #tpu.memory_space<hbm>> -> memref<1x64x4096xf32, #tpu.memory_space<hbm>>
      %dma_start3A_915 = tpu.memref_squeeze %dma_start3A_914 : memref<1x64x4096xf32, #tpu.memory_space<hbm>> -> memref<64x4096xf32, #tpu.memory_space<hbm>>
      %dma_start3A_916 = arith.constant 0 : i32
      %dma_start3A_917 = tpu.memref_slice %dma_start3A_915[%dma_start3A_916, %mul3A_894] : memref<64x4096xf32, #tpu.memory_space<hbm>> -> memref<64x128xf32, #tpu.memory_space<hbm>>
      %dma_start3A_918 = arith.constant 0 : i32
      %dma_start3A_919 = arith.constant 0 : i32
      %dma_start3A_920 = tpu.memref_slice %arg7[%dma_start3A_895, %dma_start3A_918, %dma_start3A_919] : memref<2x64x129xf32, #tpu.memory_space<vmem>> -> memref<1x64x129xf32, #tpu.memory_space<vmem>>
      %dma_start3A_921 = tpu.memref_squeeze %dma_start3A_920 : memref<1x64x129xf32, #tpu.memory_space<vmem>> -> memref<64x129xf32, #tpu.memory_space<vmem>>
      %dma_start3A_922 = arith.constant 0 : i32
      %dma_start3A_923 = arith.constant 0 : i32
      %dma_start3A_924 = tpu.memref_slice %dma_start3A_921[%dma_start3A_922, %dma_start3A_923] : memref<64x129xf32, #tpu.memory_space<vmem>> -> memref<64x128xf32, #tpu.memory_space<vmem>>
      tpu.enqueue_dma source(%dma_start3A_924 : memref<64x128xf32, #tpu.memory_space<vmem>>) target(%dma_start3A_917 : memref<64x128xf32, #tpu.memory_space<hbm>>) target_semaphore(%dma_start3A_911 : memref<!tpu.dma_semaphore, #tpu.memory_space<semaphore_mem>>)
    }
    %scan3A_323 = arith.constant 99 : i32
    %dma_wait3A_324 = arith.constant 0 : i32
    %dma_wait3A_325 = arith.constant 0 : i32
    %dma_wait3A_326 = arith.constant 0 : i32
    %dma_wait3A_327 = arith.constant 0 : i32
    %dma_wait3A_328 = arith.constant 0 : i32
    %dma_wait3A_329 = tpu.memref_slice %arg7[%dma_wait3A_324, %dma_wait3A_327, %dma_wait3A_328] : memref<2x64x129xf32, #tpu.memory_space<vmem>> -> memref<1x64x129xf32, #tpu.memory_space<vmem>>
    %dma_wait3A_330 = tpu.memref_squeeze %dma_wait3A_329 : memref<1x64x129xf32, #tpu.memory_space<vmem>> -> memref<64x129xf32, #tpu.memory_space<vmem>>
    %dma_wait3A_331 = arith.constant 0 : i32
    %dma_wait3A_332 = arith.constant 0 : i32
    %dma_wait3A_333 = tpu.memref_slice %dma_wait3A_330[%dma_wait3A_331, %dma_wait3A_332] : memref<64x129xf32, #tpu.memory_space<vmem>> -> memref<64x128xf32, #tpu.memory_space<vmem>>
    %dma_wait3A_334 = arith.constant 0 : i32
    %dma_wait3A_335 = arith.constant 0 : i32
    %dma_wait3A_336 = tpu.memref_slice %arg4[%dma_wait3A_325, %dma_wait3A_334, %dma_wait3A_335] : memref<200x64x4096xf32, #tpu.memory_space<hbm>> -> memref<1x64x4096xf32, #tpu.memory_space<hbm>>
    %dma_wait3A_337 = tpu.memref_squeeze %dma_wait3A_336 : memref<1x64x4096xf32, #tpu.memory_space<hbm>> -> memref<64x4096xf32, #tpu.memory_space<hbm>>
    %dma_wait3A_338 = arith.constant 0 : i32
    %dma_wait3A_339 = arith.constant 0 : i32
    %dma_wait3A_340 = tpu.memref_slice %dma_wait3A_337[%dma_wait3A_338, %dma_wait3A_339] : memref<64x4096xf32, #tpu.memory_space<hbm>> -> memref<64x128xf32, #tpu.memory_space<hbm>>
    %dma_wait3A_341 = tpu.memref_slice %arg9[%dma_wait3A_326] : memref<2x!tpu.dma_semaphore, #tpu.memory_space<semaphore_mem>> -> memref<1x!tpu.dma_semaphore, #tpu.memory_space<semaphore_mem>>
    %dma_wait3A_342 = tpu.memref_squeeze %dma_wait3A_341 : memref<1x!tpu.dma_semaphore, #tpu.memory_space<semaphore_mem>> -> memref<!tpu.dma_semaphore, #tpu.memory_space<semaphore_mem>>
    %dma_wait3A_343 = arith.constant 0 : i32
    %dma_wait3A_344 = arith.constant 0 : i32
    %dma_wait3A_345 = tpu.memref_slice %arg4[%dma_wait3A_325, %dma_wait3A_343, %dma_wait3A_344] : memref<200x64x4096xf32, #tpu.memory_space<hbm>> -> memref<1x64x4096xf32, #tpu.memory_space<hbm>>
    %dma_wait3A_346 = tpu.memref_squeeze %dma_wait3A_345 : memref<1x64x4096xf32, #tpu.memory_space<hbm>> -> memref<64x4096xf32, #tpu.memory_space<hbm>>
    %dma_wait3A_347 = arith.constant 0 : i32
    %dma_wait3A_348 = arith.constant 0 : i32
    %dma_wait3A_349 = tpu.memref_slice %dma_wait3A_346[%dma_wait3A_347, %dma_wait3A_348] : memref<64x4096xf32, #tpu.memory_space<hbm>> -> memref<64x128xf32, #tpu.memory_space<hbm>>
    %dma_wait3A_350 = arith.constant 0 : i32
    %dma_wait3A_351 = arith.constant 0 : i32
    %dma_wait3A_352 = tpu.memref_slice %arg7[%dma_wait3A_324, %dma_wait3A_350, %dma_wait3A_351] : memref<2x64x129xf32, #tpu.memory_space<vmem>> -> memref<1x64x129xf32, #tpu.memory_space<vmem>>
    %dma_wait3A_353 = tpu.memref_squeeze %dma_wait3A_352 : memref<1x64x129xf32, #tpu.memory_space<vmem>> -> memref<64x129xf32, #tpu.memory_space<vmem>>
    %dma_wait3A_354 = arith.constant 0 : i32
    %dma_wait3A_355 = arith.constant 0 : i32
    %dma_wait3A_356 = tpu.memref_slice %dma_wait3A_353[%dma_wait3A_354, %dma_wait3A_355] : memref<64x129xf32, #tpu.memory_space<vmem>> -> memref<64x128xf32, #tpu.memory_space<vmem>>
    tpu.wait_dma2 semaphore(%dma_wait3A_342 : memref<!tpu.dma_semaphore, #tpu.memory_space<semaphore_mem>>) src(%dma_wait3A_356 : memref<64x128xf32, #tpu.memory_space<vmem>>) dst(%dma_wait3A_349 : memref<64x128xf32, #tpu.memory_space<hbm>>)
    %dma_wait3A_357 = arith.constant 1 : i32
    %dma_wait3A_358 = arith.constant 0 : i32
    %dma_wait3A_359 = arith.constant 1 : i32
    %dma_wait3A_360 = arith.constant 0 : i32
    %dma_wait3A_361 = arith.constant 0 : i32
    %dma_wait3A_362 = tpu.memref_slice %arg7[%dma_wait3A_357, %dma_wait3A_360, %dma_wait3A_361] : memref<2x64x129xf32, #tpu.memory_space<vmem>> -> memref<1x64x129xf32, #tpu.memory_space<vmem>>
    %dma_wait3A_363 = tpu.memref_squeeze %dma_wait3A_362 : memref<1x64x129xf32, #tpu.memory_space<vmem>> -> memref<64x129xf32, #tpu.memory_space<vmem>>
    %dma_wait3A_364 = arith.constant 0 : i32
    %dma_wait3A_365 = arith.constant 0 : i32
    %dma_wait3A_366 = tpu.memref_slice %dma_wait3A_363[%dma_wait3A_364, %dma_wait3A_365] : memref<64x129xf32, #tpu.memory_space<vmem>> -> memref<64x128xf32, #tpu.memory_space<vmem>>
    %dma_wait3A_367 = arith.constant 0 : i32
    %dma_wait3A_368 = arith.constant 0 : i32
    %dma_wait3A_369 = tpu.memref_slice %arg4[%dma_wait3A_358, %dma_wait3A_367, %dma_wait3A_368] : memref<200x64x4096xf32, #tpu.memory_space<hbm>> -> memref<1x64x4096xf32, #tpu.memory_space<hbm>>
    %dma_wait3A_370 = tpu.memref_squeeze %dma_wait3A_369 : memref<1x64x4096xf32, #tpu.memory_space<hbm>> -> memref<64x4096xf32, #tpu.memory_space<hbm>>
    %dma_wait3A_371 = arith.constant 0 : i32
    %dma_wait3A_372 = arith.constant 0 : i32
    %dma_wait3A_373 = tpu.memref_slice %dma_wait3A_370[%dma_wait3A_371, %dma_wait3A_372] : memref<64x4096xf32, #tpu.memory_space<hbm>> -> memref<64x128xf32, #tpu.memory_space<hbm>>
    %dma_wait3A_374 = tpu.memref_slice %arg9[%dma_wait3A_359] : memref<2x!tpu.dma_semaphore, #tpu.memory_space<semaphore_mem>> -> memref<1x!tpu.dma_semaphore, #tpu.memory_space<semaphore_mem>>
    %dma_wait3A_375 = tpu.memref_squeeze %dma_wait3A_374 : memref<1x!tpu.dma_semaphore, #tpu.memory_space<semaphore_mem>> -> memref<!tpu.dma_semaphore, #tpu.memory_space<semaphore_mem>>
    %dma_wait3A_376 = arith.constant 0 : i32
    %dma_wait3A_377 = arith.constant 0 : i32
    %dma_wait3A_378 = tpu.memref_slice %arg4[%dma_wait3A_358, %dma_wait3A_376, %dma_wait3A_377] : memref<200x64x4096xf32, #tpu.memory_space<hbm>> -> memref<1x64x4096xf32, #tpu.memory_space<hbm>>
    %dma_wait3A_379 = tpu.memref_squeeze %dma_wait3A_378 : memref<1x64x4096xf32, #tpu.memory_space<hbm>> -> memref<64x4096xf32, #tpu.memory_space<hbm>>
    %dma_wait3A_380 = arith.constant 0 : i32
    %dma_wait3A_381 = arith.constant 0 : i32
    %dma_wait3A_382 = tpu.memref_slice %dma_wait3A_379[%dma_wait3A_380, %dma_wait3A_381] : memref<64x4096xf32, #tpu.memory_space<hbm>> -> memref<64x128xf32, #tpu.memory_space<hbm>>
    %dma_wait3A_383 = arith.constant 0 : i32
    %dma_wait3A_384 = arith.constant 0 : i32
    %dma_wait3A_385 = tpu.memref_slice %arg7[%dma_wait3A_357, %dma_wait3A_383, %dma_wait3A_384] : memref<2x64x129xf32, #tpu.memory_space<vmem>> -> memref<1x64x129xf32, #tpu.memory_space<vmem>>
    %dma_wait3A_386 = tpu.memref_squeeze %dma_wait3A_385 : memref<1x64x129xf32, #tpu.memory_space<vmem>> -> memref<64x129xf32, #tpu.memory_space<vmem>>
    %dma_wait3A_387 = arith.constant 0 : i32
    %dma_wait3A_388 = arith.constant 0 : i32
    %dma_wait3A_389 = tpu.memref_slice %dma_wait3A_386[%dma_wait3A_387, %dma_wait3A_388] : memref<64x129xf32, #tpu.memory_space<vmem>> -> memref<64x128xf32, #tpu.memory_space<vmem>>
    tpu.wait_dma2 semaphore(%dma_wait3A_375 : memref<!tpu.dma_semaphore, #tpu.memory_space<semaphore_mem>>) src(%dma_wait3A_389 : memref<64x128xf32, #tpu.memory_space<vmem>>) dst(%dma_wait3A_382 : memref<64x128xf32, #tpu.memory_space<hbm>>)
    return
  }
}

</mosaic_0001>

<sc_bundles>
// kernel: kernel.3.cloned.1.call-start
scs
__scs_entry_jumppad:
0x0: {  	(pc) =	sbr.rel $0x88, $3  }
0x1: {  	(tag) =	ssettag $0x0;
	lr =	simm.s32 $0x1  }
0x2: {  	[smem:$0x3F9F] =	sst lr;
	_ =	strace $0xD0000000  }
0x3: {  	_ = 	snop  }
0x4: {  	_ = 	snop  }
0x5: {  	_ = 	snop  }
0x6: {  	_ = 	snop  }
0x7: {  	_ = 	snop  }
__scs_overlays_trampoline_lowered:
0x8: {  	[smem:$0x3FAE] =	sst s0  }
0x9: {  	[smem:$0x3FAF] =	sst s1  }
0xa: {  	[smem:$0x3FB0] =	sst s2  }
0xb: {  	[smem:$0x3FB1] =	sst s3  }
0xc: {  	[smem:$0x3FB2] =	sst s4  }
0xd: {  	[smem:$0x3FB3] =	sst s5  }
0xe: {  	[smem:$0x3FB4] =	sst s6  }
0xf: {  	[smem:$0x3FB5] =	sst s7  }
0x10: {  	[smem:$0x3FB6] =	sst s8  }
0x11: {  	[smem:$0x3FB7] =	sst s9;
	s0 =	simm.s32 @!p0 $0x0  }
0x12: {  	s1 =	sld [smem:$0x3F9D];
	s0 =	simm.s32 @p0 $0x1  }
0x13: {  	[smem:$0x3FB8] =	sst s0;
	s0 =	simm.s32 @!p1 $0x0  }
0x14: {  	s2 =	sld [smem:$0x3F9C];
	s0 =	simm.s32 @p1 $0x1  }
0x15: {  	[smem:$0x3FB9] =	sst s0;
	s0 =	simm.s32 @!p2 $0x0  }
0x16: {  	s3 =	sld [smem:$0x3FDB];
	s0 =	simm.s32 @p2 $0x1  }
0x17: {  	s4 =	simm.s32 $0x1BF5;
	[smem:$0x3FBB] =	sst s0  }
0x18: {  	s0 =	sld [smem:$0x3F9E];
	_ =	swait.ge [sflag:s4], $0x0  }
0x19: {  	s7 =	sld [smem:$0x3F9F]  }
0x1a: {  	s8 =	sadd.s32 $0xFFFFE003, lr  }
0x1b: {  	s9 =	sadd.s32 $0xFFFFFEF7, lr;
	s5 =	simm.s32 $0xFFFFFFFF;
	p2 =	slt.u32 s8, $0xFFFFF086  }
0x1c: {  	p1 =	slt.u32 s9, $0xF7A;
	s5 =	simm.s32 @!p2 $0x0  }
0x1d: {  	s5 =	simm.s32 @p1 $0x1;
	p0 =	seq.s32 s7, s2  }
0x1e: {  	s7 =	smul.u32 @!p0 $0xF7A, s2;
	p2 =	seq.s32 @!p0 s5, $0x0  }
0x1f: {  	s9 =	smul.u32 $0xF7A, s1;
	s8 =	simm.s32 @!p0 $0x1BF5;
	p2 =	por !p2, p0  }
0x20: {  	[sflag:s8] =	ssyncset.s32 @!p0 $0xFFFFF086;
	s6 =	sadd.s32 @!p0 s3, s7;
	s7 =	simm.s32 @!p0 $0x108  }
0x21: {  	s3 =	sadd.s32 s3, s9;
	s6 =	sadd.s32 @!p0 $0x88, s6;
	s7 =	simm.s32 @p2 $0x1082  }
0x22: {  	[simem:s7], [sflag:s8] =	dma.local @!p0 [hbm:s6], $0xF7A  }
0x23: {  	s9 =	sor.u32 $0xD0000000, s2;
	s6 =	simm.s32 $0x108;
	_ =	swait.ge @!p0 [sflag:s8], $0x0  }
0x24: {  	s3 =	sadd.s32 $0x88, s3;
	s6 =	simm.s32 @!p1 $0x1082;
	[sflag:s4] =	ssyncset.s32 $0xFFFFF086  }
0x25: {  	[simem:s6], [sflag:s4] =	dma.local [hbm:s3], $0xF7A  }
0x26: {  	[smem:$0x3F9F] =	sst s1;
	(tag) =	ssettag s2;
	_ =	strace s9  }
0x27: {  	s1 =	sld [smem:$0x3FAF]  }
0x28: {  	s2 =	sld [smem:$0x3FB0]  }
0x29: {  	s4 =	sld [smem:$0x3FB2]  }
0x2a: {  	p0 =	seq.s32 s5, $0x0;
	s5 =	sld [smem:$0x3FB3]  }
0x2b: {  	s6 =	sld [smem:$0x3FB4]  }
0x2c: {  	s7 =	sld [smem:$0x3FB5]  }
0x2d: {  	s3 =	simm.s32 $0x108;
	s8 =	sld [smem:$0x3FB6]  }
0x2e: {  	s3 =	simm.s32 @!p0 $0x1082;
	s9 =	sld [smem:$0x3FB7]  }
0x2f: {  	lr =	sadd.s32 s0, s3;
	s0 =	sld [smem:$0x3FAE]  }
0x30: {  	s3 =	sld [smem:$0x3FB1]  }
0x31: {  	[smem:$0x3FBA] =	sst s10  }
0x32: {  	s10 =	sld [smem:$0x3FB8];
	_ =	sdelay $0x3  }
0x33: {  	p0 =	seq.s32 s10, $0x1;
	s10 =	sld [smem:$0x3FBA];
	_ =	sdelay $0x3  }
0x34: {  	[smem:$0x3FBA] =	sst s10  }
0x35: {  	s10 =	sld [smem:$0x3FB9];
	_ =	sdelay $0x3  }
0x36: {  	p1 =	seq.s32 s10, $0x1;
	s10 =	sld [smem:$0x3FBA];
	_ =	sdelay $0x3  }
0x37: {  	[smem:$0x3FBA] =	sst s10  }
0x38: {  	s10 =	sld [smem:$0x3FBB]  }
0x39: {  	_ = 	snop;
	(pc) =	sbr.ind lr, $3  }
0x3a: {  	_ = 	snop  }
0x3b: {  	_ = 	snop  }
0x3c: {  	p2 =	seq.s32 s10, $0x1;
	s10 =	sld [smem:$0x3FBA]  }
0x3d: {  	_ =	shalt  }
0x3e: {  	_ =	shalt  }
0x3f: {  	_ =	shalt  }
0x40: {  	_ =	shalt  }
0x41: {  	_ =	shalt  }
0x42: {  	_ =	shalt  }
0x43: {  	_ =	shalt  }
0x44: {  	_ =	shalt  }
0x45: {  	_ =	shalt  }
0x46: {  	_ =	shalt  }
0x47: {  	_ =	shalt  }
0x48: {  	_ =	shalt  }
0x49: {  	_ =	shalt  }
0x4a: {  	_ =	shalt  }
0x4b: {  	_ =	shalt  }
0x4c: {  	_ =	shalt  }
0x4d: {  	_ =	shalt  }
0x4e: {  	_ =	shalt  }
0x4f: {  	_ =	shalt  }
0x50: {  	_ =	shalt  }
0x51: {  	_ =	shalt  }
0x52: {  	_ =	shalt  }
0x53: {  	_ =	shalt  }
0x54: {  	_ =	shalt  }
0x55: {  	_ =	shalt  }
0x56: {  	_ =	shalt  }
0x57: {  	_ =	shalt  }
0x58: {  	_ =	shalt  }
0x59: {  	_ =	shalt  }
0x5a: {  	_ =	shalt  }
0x5b: {  	_ =	shalt  }
0x5c: {  	_ =	shalt  }
0x5d: {  	_ =	shalt  }
0x5e: {  	_ =	shalt  }
0x5f: {  	_ =	shalt  }
0x60: {  	_ =	shalt  }
0x61: {  	_ =	shalt  }
0x62: {  	_ =	shalt  }
0x63: {  	_ =	shalt  }
0x64: {  	_ =	shalt  }
0x65: {  	_ =	shalt  }
0x66: {  	_ =	shalt  }
0x67: {  	_ =	shalt  }
0x68: {  	_ =	shalt  }
0x69: {  	_ =	shalt  }
0x6a: {  	_ =	shalt  }
0x6b: {  	_ =	shalt  }
0x6c: {  	_ =	shalt  }
0x6d: {  	_ =	shalt  }
0x6e: {  	_ =	shalt  }
0x6f: {  	_ =	shalt  }
0x70: {  	_ =	shalt  }
0x71: {  	_ =	shalt  }
0x72: {  	_ =	shalt  }
0x73: {  	_ =	shalt  }
0x74: {  	_ =	shalt  }
0x75: {  	_ =	shalt  }
0x76: {  	_ =	shalt  }
0x77: {  	_ =	shalt  }
0x78: {  	_ =	shalt  }
0x79: {  	_ =	shalt  }
0x7a: {  	_ =	shalt  }
0x7b: {  	_ =	shalt  }
0x7c: {  	_ =	shalt  }
0x7d: {  	_ =	shalt  }
0x7e: {  	_ =	shalt  }
0x7f: {  	_ =	shalt  }
0x80: {  	_ =	shalt  }
0x81: {  	_ =	shalt  }
0x82: {  	_ =	shalt  }
0x83: {  	_ =	shalt  }
0x84: {  	_ =	shalt  }
0x85: {  	_ =	shalt  }
0x86: {  	_ =	shalt  }
0x87: {  	_ =	shalt  }
.Lfunc_end0:
.L_simem_size_0:
called_computation_lowered:
.L_overlay_start_0:
0x88: {  	s2 =	sld [smem:$0x3FD9]  }
0x89: {  	s3 =	sld [smem:$0x3FFE];
	_ =	sdelay $0x1  }
0x8a: {  	s1 =	srdreg.scid  }
0x8b: {  	s0 =	sand.u32 $0x1, s1  }
0x8c: {  	s17 =	sshll.u32 s0, $0xA;
	s2 =	sadd.s32 s3, s2  }
0x8d: {  	s2 =	sadd.s32 s2, s17  }
0x8e: {  	[smem:$0x3FC6] =	sst s2  }
0x8f: {  	_ = 	snop  }
0x90: {  	s2 =	sld [smem:$0x3FC9]  }
0x91: {  	s18 =	sld [smem:$0x3FD0];
	(tm) =	ssettm $0x1  }
0x92: {  	s4 =	sld [smem:$0x3FFB];
	_ =	sdelay $0x3  }
0x93: {  	_ =	strace s4  }
0x94: {  	s4 =	sld [smem:$0x3FFC];
	_ =	sdelay $0x3  }
0x95: {  	_ =	strace s4  }
0x96: {  	s4 =	sld [smem:$0x3FFD];
	_ =	sdelay $0x3  }
0x97: {  	_ =	strace s4  }
0x98: {  	_ =	strace $0x8FFFFFFF  }
0x99: {  	s19 =	sld [smem:$0x3FDB];
	_ =	sdelay $0x1  }
0x9a: {  	s5 =	simm.s32 $_scs_section_size  }
0x9b: {  	s6 =	simm.s32 $_size__tile_overlayer_lowered;
	s7 =	simm.s32 $_tile_overlayer_lowered  }
0x9c: {  	s22 =	simm.s32 $0x1BFF;
	s21 =	sshll.u32 s7, $0x1;
	s4 =	sadd.s32 s5, s19  }
0x9d: {  	s8 =	simm.s32 $0x0;
	s20 =	sshll.u32 s6, $0x1;
	s6 =	sadd.s32 s21, s4  }
0x9e: {  	[timem:s8], [sflag:s22] =	dma.local [hbm:s6], s20  }
0x9f: {  	_ =	swait.ge [sflag:s22], s20  }
0xa0: {  	s5 =	ssub.s32 $0x0, s20;
	[sflag:s22] =	ssyncset.done $0x0  }
0xa1: {  	[sflag:s22] =	ssyncadd.s32 s5;
	_ =	sdelay $0x1  }
0xa2: {  	s23 =	simm.s32 $0x1B8B  }
0xa3: {  	_ =	swait.ge [sflag:s23], $0x1  }
0xa4: {  	[sflag:s23] =	ssyncset.done $0x0  }
0xa5: {  	s25 =	simm.s32 $0x1B8E;
	s24 =	sld [smem:$0x3FFE];
	[sflag:s23] =	ssyncadd.s32 $0xFFFFFFFF  }
0xa6: {  	s26 =	simm.s32 $execute0_lowered;
	[smem:$0x3FD2] =	sst s25  }
0xa7: {  	s6 =	sshll.u32 s26, $0x1;
	_ =	strace $0x80000046;
	[dreg:$0x1] =	wrdreg $0xFFFFFFFF  }
0xa8: {  	s28 =	simm.s32 $_size_execute0_lowered;
	s4 =	sadd.s32 s4, s6;
	[dreg:$0x0] =	wrdreg $0x0  }
0xa9: {  	s6 =	sshll.u32 s28, $0x1;
	[dreg:$0x2] =	wrdreg s4  }
0xaa: {  	[dreg:$0x3] =	wrdreg s6  }
0xab: {  	[dreg:$0x4] =	wrdreg $0xC0  }
0xac: {  	_ =	task [dreg:s8], $0x5FFFF  }
0xad: {  	[dreg:$0x1] =	wrdreg $0xFFFFFFFF  }
0xae: {  	[dreg:$0x0] =	wrdreg $0x60  }
0xaf: {  	[dreg:$0x2] =	wrdreg s2  }
0xb0: {  	[dreg:$0x3] =	wrdreg s24  }
0xb1: {  	[dreg:$0x4] =	wrdreg s18  }
0xb2: {  	[dreg:$0x5] =	wrdreg $0x9  }
0xb3: {  	_ =	task.clear_ibuf [dreg:s8], $0x6FFFF;
	_ =	strace $0x90000046  }
0xb4: {  	s29 =	simm.s32 $0x9;
	_ =	strace $0x80000048  }
0xb5: {  	_ =	swait.ge [sflag:s29], $0x1  }
0xb6: {  	[sflag:s29] =	ssyncadd.s32 $0xFFFFFFFF  }
0xb7: {  	_ =	strace $0x90000048  }
0xb8: {  	_ =	sfence  }
0xb9: {  	s30 =	sld [smem:$0x0];
	_ =	sdelay $0x2  }
0xba: {  	s31 =	sshll.u32 s1, $0xD;
	s1 =	sshrl.u32 s1, $0x2  }
0xbb: {  	s3 =	sand.u32 $0x4000, s31;
	s1 =	sadd.s32 s1, s30  }
0xbc: {  	s0 =	sor.u32 s3, s0;
	s1 =	sshll.u32 s1, $0x11  }
0xbd: {  	s0 =	sor.u32 s1, s0  }
0xbe: {  	s0 =	sadd.s32 $0x8F2B, s0  }
0xbf: {  	[sflag:s0] =	ssyncadd.remote.s32 $0x1  }
0xc0: {  	_ =	sfence.sel $0xFFFF  }
0xc1: {  	[dreg:$0x0] =	wrdreg $0xFFFFFFFF;
	(pc) =	sbr.abs _section_cstart, $3  }
0xc2: {  	[dreg:$0x1] =	wrdreg $0xFFFFFFFF  }
0xc3: {  	_ =	task.clear_ibuf [dreg:s8], $0x2FFFF;
	_ =	strace $0x9FFFFFFF  }
0xc4: {  	(tm) =	ssettm $0x7FFFFFFF  }
0xc5: {  	_ =	shalt  }
tec
execute0_lowered:
.L_overlay_start_1:
0x0: {  	(tag) =	ssettag $0x1  }
0x1: {  	v0 =	vimm.s32 $0xB80  }
0x2: {  	vm14 =	vcmask $0x300;
	vm13 =	vcmask $0x704;
	vm12 =	vcmask $0xB08  }
0x3: {  	vm11 =	vcmask $0xF0C;
	vm10 =	vcmask $0x1310;
	vm9 =	vcmask $0x1714  }
0x4: {  	vm8 =	vcmask $0x1B18;
	vm7 =	vcmask $0x1F1C;
	vm6 =	vcmask $0x2320  }
0x5: {  	vm5 =	vcmask $0x2724;
	vm4 =	vcmask $0x2B28;
	vm3 =	vcmask $0x2F2C  }
0x6: {  	vm2 =	vcmask $0x3330;
	vm1 =	vcmask $0x3734;
	vm0 =	vcmask $0x3B38  }
0x7: {  	s9 =	rddreg [dreg:$0x0];
	v1 =	vimm.s32 $0x1B80;
	v2 =	vimm.s32 $0x2B80;
	v3 =	vimm.s32 $0x3B80  }
0x8: {  	s0 =	rddreg [dreg:$0x1];
	s1 =	srdreg.scid;
	v0 =	vsel vm14, $0x0, v0;
	v1 =	vsel vm14, $0x1000, v1;
	v2 =	vsel vm14, $0x2000, v2  }
0x9: {  	s2 =	stileid.u32;
	s3 =	rddreg [dreg:$0x2];
	s4 =	simm.s32 $0x0;
	v3 =	vsel vm14, $0x3000, v3;
	v0 =	vsel vm13, $0x80, v0;
	v1 =	vsel vm13, $0x1080, v1  }
0xa: {  	s10 =	simm.s32 $0x80;
	s12 =	simm.s32 $0x1;
	s15 =	simm.s32 $0x8800;
	v2 =	vsel vm13, $0x2080, v2;
	v3 =	vsel vm13, $0x3080, v3;
	v0 =	vsel vm12, $0x100, v0  }
0xb: {  	s21 =	simm.s32 $0xA800;
	s22 =	simm.s32 $0xB000;
	s29 =	simm.s32 $0xC800;
	v1 =	vsel vm12, $0x1100, v1;
	v2 =	vsel vm12, $0x2100, v2;
	v3 =	vsel vm12, $0x3100, v3  }
0xc: {  	s30 =	simm.s32 $0xD000;
	s31 =	simm.s32 $0xD800;
	s28 =	simm.s32 $0xF000;
	v0 =	vsel vm11, $0x180, v0;
	v1 =	vsel vm11, $0x1180, v1;
	v2 =	vsel vm11, $0x2180, v2  }
0xd: {  	s16 =	simm.s32 $0x3;
	s1 =	sand.u32 $0x1, s1;
	s2 =	sshll.u32 s2, $0x1;
	v3 =	vsel vm11, $0x3180, v3;
	v0 =	vsel vm10, $0x200, v0;
	v1 =	vsel vm10, $0x1200, v1  }
0xe: {  	s18 =	simm.s32 $0x4;
	s11 =	simm.s32 $0x0;
	s2 =	sor.u32 s1, s2;
	v2 =	vsel vm10, $0x2200, v2;
	v3 =	vsel vm10, $0x3200, v3;
	v0 =	vsel vm9, $0x280, v0  }
0xf: {  	[smem:$0x7FF] =	sst s4;
	s1 =	ssub.s32 $0x2, s1;
	s5 =	smul.u32 $0x19, s2;
	v1 =	vsel vm9, $0x1280, v1;
	v2 =	vsel vm9, $0x2280, v2;
	v3 =	vsel vm9, $0x3280, v3  }
0x10: {  	s6 =	sadd.s32 $0xF42800, s0;
	s2 =	smul.u32 $0x6400, s2;
	s8 =	sshrl.u32 s1, $0x1;
	v0 =	vsel vm8, $0x300, v0;
	v1 =	vsel vm8, $0x1300, v1;
	v2 =	vsel vm8, $0x2300, v2  }
0x11: {  	_ =	strace $0x80000047;
	s1 =	ssub.s32 s1, s8;
	s8 =	simm.s32 $0x10000;
	v3 =	vsel vm8, $0x3300, v3;
	v0 =	vsel vm7, $0x380, v0;
	v1 =	vsel vm7, $0x1380, v1  }
0x12: {  	s23 =	sshll.u32 s5, $0xA;
	s2 =	sand.u32 $0x7C00, s2;
	s7 =	sshll.u32 s5, $0xD;
	v2 =	vsel vm7, $0x2380, v2;
	v3 =	vsel vm7, $0x3380, v3;
	v0 =	vsel vm6, $0x800, v0  }
0x13: {  	s1 =	smax.u32 s1, $0x1;
	s0 =	sand.u32 $0xF8000, s23;
	s7 =	sand.u32 $0x7C0000, s7;
	v1 =	vsel vm6, $0x1800, v1;
	v2 =	vsel vm6, $0x2800, v2;
	v3 =	vsel vm6, $0x3800, v3  }
0x14: {  	[dreg:$0x5] =	wrdreg s1;
	s23 =	simm.s32 $0xB800;
	s0 =	sor.u32 s2, s0;
	v0 =	vsel vm5, $0x880, v0;
	v1 =	vsel vm5, $0x1880, v1;
	v2 =	vsel vm5, $0x2880, v2  }
0x15: {  	s1 =	simm.s32 $0xE800;
	s24 =	sadd.s32 s3, s7;
	s0 =	sshrl.u32 s0, $0x3;
	v3 =	vsel vm5, $0x3880, v3;
	v0 =	vsel vm4, $0x900, v0;
	v1 =	vsel vm4, $0x1900, v1  }
0x16: {  	s2 =	sshrl.u32 s2, $0x3;
	s7 =	sadd.s32 $0x8000, s24;
	s0 =	sadd.s32 s9, s0;
	v2 =	vsel vm4, $0x2900, v2;
	v3 =	vsel vm4, $0x3900, v3;
	v0 =	vsel vm3, $0x980, v0  }
.Ltmp0:
0x17: {  	s26 =	sadd.s32 s2, s7;
	[dreg:$0x4] =	wrdreg s0;
	v1 =	vsel vm3, $0x1980, v1;
	v2 =	vsel vm3, $0x2980, v2;
	v3 =	vsel vm3, $0x3980, v3;
	(pc) =	sbr.rel .LBB2_1-.Ltmp0, $4  }
0x18: {  	s9 =	simm.s32 $0x5;
	s0 =	sadd.s32 s2, s24;
	[dreg:$0x9] =	wrdreg s26;
	v0 =	vsel vm2, $0xA00, v0;
	v1 =	vsel vm2, $0x1A00, v1;
	v2 =	vsel vm2, $0x2A00, v2  }
0x19: {  	s7 =	simm.s32 $0xF800;
	s25 =	sadd.s32 $0x1000, s0;
	[dreg:$0x6] =	wrdreg s0;
	v3 =	vsel vm2, $0x3A00, v3;
	v0 =	vsel vm1, $0xA80, v0;
	v1 =	vsel vm1, $0x1A80, v1  }
0x1a: {  	s26 =	simm.s32 $0x2;
	s0 =	sadd.s32 $0x2000, s0;
	[dreg:$0x7] =	wrdreg s25;
	v2 =	vsel vm1, $0x2A80, v2;
	v3 =	vsel vm1, $0x3A80, v3;
	v0 =	vsel vm0, $0xB00, v0  }
0x1b: {  	s2 =	simm.s32 $0xE000;
	[dreg:$0x8] =	wrdreg s0;
	s25 =	simm.s32 $0xC000;
	v1 =	vsel vm0, $0x1B00, v1;
	v2 =	vsel vm0, $0x2B00, v2;
	v3 =	vsel vm0, $0x3B00, v3  }
.LBB2_16:
0x1c: {  	_ =	swait.ge [sflag:s16], $0x2000  }
0x1d: {  	[sflag:s16] =	ssyncset.done $0x0  }
0x1e: {  	[sflag:s16] =	ssyncadd.s32 $0xFFFFE000  }
0x1f: {  	_ =	swait.ge [sflag:s18], $0x2000  }
0x20: {  	s11 =	rddreg [dreg:$0xa]  }
0x21: {  	s0 =	rddreg [dreg:$0x5];
	s11 =	sadd.s32 $0x1, s11  }
0x22: {  	p0 =	sne.s32 s11, s0  }
.Ltmp1:
0x23: {  	_ = 	snop;
	(pc) =	sbr.rel @!p0 .LBB2_17-.Ltmp1, $3  }
0x24: {  	_ =	sdelay $0x1  }
0x25: {  	[sflag:s18] =	ssyncset.done $0x0  }
0x26: {  	[sflag:s18] =	ssyncadd.s32 $0xFFFFE000  }
.LBB2_1:
0x27: {  	[dreg:$0xa] =	wrdreg s11  }
0x28: {  	s0 =	rddreg [dreg:$0x4]  }
0x29: {  	[tilespmem:s4], [sflag:$0x5] =	stream.linear.gather [hbm4b:s0+s4], $0x400, $0x38;
	[tilespmem:$0x10800] =	vst v63  }
0x2a: {  	_ =	swait.ge [sflag:s9], $0x400  }
0x2b: {  	[sflag:s9] =	ssyncset.done $0x0  }
0x2c: {  	s20 =	simm.s32 $0x800;
	[sflag:s9] =	ssyncadd.s32 $0xFFFFFC00  }
0x2d: {  	[tilespmem:s20], [sflag:$0x1] =	stream.indirect.gather [hbm4b:s6+s10], $0x80, s4, s10, $0xb8;
	[tilespmem:$0x10800] =	vst v63  }
0x2e: {  	_ =	swait.ge [sflag:s12], $0x4000  }
0x2f: {  	[sflag:s12] =	ssyncset.done $0x0  }
0x30: {  	s24 =	simm.s32 $0x4800;
	s0 =	simm.s32 $0x820;
	[sflag:s12] =	ssyncadd.s32 $0xFFFFC000  }
0x31: {  	[tilespmem:s24], [sflag:$0x2] =	stream.indirect.gather [hbm4b:s6+s10], $0x80, s10, s10, $0xb8;
	[tilespmem:$0x10800] =	vst v63  }
0x32: {  	v5 =	vor.u32 s4, v0;
	s13 =	simm.s32 $0x1;
	s11 =	simm.s32 $0x0;
	v4 =	vld [tilespmem:s0+$0xFFFFFFE0]  }
.LBB2_2:
0x33: {  	p0 =	sne.s32 s13, $0x7F;
	_ =	sdelay $0x3  }
0x34: {  	[tilespmem:v5+s15+$0x0] =	vst.idx.msk $0xffff, v4  }
0x35: {  	v5 =	vor.u32 s11, v1;
	v4 =	vld [tilespmem:s0+$0xFFFFFFF0];
	_ =	sdelay $0x4  }
0x36: {  	[tilespmem:v5+s15+$0x0] =	vst.idx.msk $0xffff, v4  }
0x37: {  	v5 =	vor.u32 s11, v2;
	v4 =	vld [tilespmem:s0+$0x0];
	_ =	sdelay $0x4  }
0x38: {  	[tilespmem:v5+s15+$0x0] =	vst.idx.msk $0xffff, v4  }
0x39: {  	v5 =	vor.u32 s11, v3;
	s11 =	smov.u32 s13;
	v4 =	vld [tilespmem:s0+$0x10];
	_ =	sdelay $0x1  }
.Ltmp2:
0x3a: {  	(pc) =	sbr.rel @p0 .LBB2_2-.Ltmp2, $3  }
0x3b: {  	_ =	sdelay $0x1  }
0x3c: {  	s0 =	sadd.s32 $0x80, s0;
	[tilespmem:v5+s15+$0x0] =	vst.idx.msk $0xffff, v4  }
0x3d: {  	s13 =	sadd.s32 $0x1, s13;
	v5 =	vor.u32 s11, v0;
	v4 =	vld [tilespmem:s0+$0xFFFFFFE0]  }
0x3e: {  	_ =	sdelay $0x3  }
0x3f: {  	[tilespmem:v5+s15+$0x0] =	vst.idx.msk $0xffff, v4  }
0x40: {  	v5 =	vor.u32 s11, v1;
	v4 =	vld [tilespmem:s0+$0xFFFFFFF0];
	_ =	sdelay $0x4  }
0x41: {  	[tilespmem:v5+s15+$0x0] =	vst.idx.msk $0xffff, v4  }
0x42: {  	v5 =	vor.u32 s11, v2;
	v4 =	vld [tilespmem:s0+$0x0];
	_ =	sdelay $0x4  }
0x43: {  	[tilespmem:v5+s15+$0x0] =	vst.idx.msk $0xffff, v4  }
0x44: {  	v5 =	vor.u32 s11, v3;
	v4 =	vld [tilespmem:s0+$0x10];
	_ =	sdelay $0x4  }
0x45: {  	s13 =	rddreg [dreg:$0x6];
	s0 =	simm.s32 $0x0;
	[tilespmem:v5+s15+$0x0] =	vst.idx.msk $0xffff, v4  }
0x46: {  	[hbm4b:s13+s0] =	stream.linear.scatter [tilespmem:s15], [sflag:$0x3], $0x400, $0x38;
	[tilespmem:$0x10800] =	vst v63  }
0x47: {  	s24 =	rddreg [dreg:$0x7];
	s14 =	simm.s32 $0x9000  }
0x48: {  	[hbm4b:s24+s0] =	stream.linear.scatter [tilespmem:s14], [sflag:$0x3], $0x400, $0x38;
	[tilespmem:$0x10800] =	vst v63  }
0x49: {  	s17 =	simm.s32 $0x9800;
	s14 =	rddreg [dreg:$0x8]  }
0x4a: {  	[hbm4b:s14+s0] =	stream.linear.scatter [tilespmem:s17], [sflag:$0x3], $0x400, $0x38;
	[tilespmem:$0x10800] =	vst v63  }
0x4b: {  	s20 =	simm.s32 $0xA000;
	s19 =	sadd.s32 $0x3000, s13  }
0x4c: {  	[hbm4b:s19+s0] =	stream.linear.scatter [tilespmem:s20], [sflag:$0x3], $0x400, $0x38;
	[tilespmem:$0x10800] =	vst v63  }
0x4d: {  	s24 =	sadd.s32 $0x4000, s13  }
0x4e: {  	[hbm4b:s24+s0] =	stream.linear.scatter [tilespmem:s21], [sflag:$0x3], $0x400, $0x38;
	[tilespmem:$0x10800] =	vst v63  }
0x4f: {  	s14 =	sadd.s32 $0x5000, s13  }
0x50: {  	[hbm4b:s14+s0] =	stream.linear.scatter [tilespmem:s22], [sflag:$0x3], $0x400, $0x38;
	[tilespmem:$0x10800] =	vst v63  }
0x51: {  	s17 =	sadd.s32 $0x6000, s13  }
0x52: {  	[hbm4b:s17+s0] =	stream.linear.scatter [tilespmem:s23], [sflag:$0x3], $0x400, $0x38;
	[tilespmem:$0x10800] =	vst v63  }
0x53: {  	s19 =	sadd.s32 $0x7000, s13  }
0x54: {  	[hbm4b:s19+s0] =	stream.linear.scatter [tilespmem:s25], [sflag:$0x3], $0x400, $0x38;
	[tilespmem:$0x10800] =	vst v63  }
0x55: {  	_ =	swait.ge [sflag:s26], $0x4000  }
0x56: {  	s11 =	simm.s32 $0x4800;
	[sflag:s26] =	ssyncset.done $0x0  }
0x57: {  	s20 =	simm.s32 $0x800;
	s24 =	simm.s32 $0x100;
	[sflag:s26] =	ssyncadd.s32 $0xFFFFC000  }
0x58: {  	[tilespmem:s20], [sflag:$0x1] =	stream.indirect.gather [hbm4b:s6+s10], $0x80, s24, s10, $0xb8;
	[tilespmem:$0x10800] =	vst v63  }
0x59: {  	v5 =	vor.u32 s0, v0;
	s13 =	simm.s32 $0x1;
	v4 =	vld [tilespmem:s11+$0x0]  }
.LBB2_4:
0x5a: {  	p0 =	sne.s32 s13, $0x7F;
	_ =	sdelay $0x3  }
0x5b: {  	[tilespmem:v5+s29+$0x0] =	vst.idx.msk $0xffff, v4  }
0x5c: {  	v5 =	vor.u32 s0, v1;
	v4 =	vld [tilespmem:s11+$0x10];
	_ =	sdelay $0x4  }
0x5d: {  	[tilespmem:v5+s29+$0x0] =	vst.idx.msk $0xffff, v4  }
0x5e: {  	v5 =	vor.u32 s0, v2;
	v4 =	vld [tilespmem:s11+$0x20];
	_ =	sdelay $0x4  }
0x5f: {  	[tilespmem:v5+s29+$0x0] =	vst.idx.msk $0xffff, v4  }
0x60: {  	v5 =	vor.u32 s0, v3;
	s0 =	smov.u32 s13;
	v4 =	vld [tilespmem:s11+$0x30];
	_ =	sdelay $0x1  }
.Ltmp3:
0x61: {  	(pc) =	sbr.rel @p0 .LBB2_4-.Ltmp3, $3  }
0x62: {  	_ =	sdelay $0x1  }
0x63: {  	s11 =	sadd.s32 $0x80, s11;
	[tilespmem:v5+s29+$0x0] =	vst.idx.msk $0xffff, v4  }
0x64: {  	s13 =	sadd.s32 $0x1, s13;
	v5 =	vor.u32 s0, v0;
	v4 =	vld [tilespmem:s11+$0x0]  }
0x65: {  	_ =	sdelay $0x3  }
0x66: {  	[tilespmem:v5+s29+$0x0] =	vst.idx.msk $0xffff, v4  }
0x67: {  	v5 =	vor.u32 s0, v1;
	v4 =	vld [tilespmem:s11+$0x10];
	_ =	sdelay $0x4  }
0x68: {  	[tilespmem:v5+s29+$0x0] =	vst.idx.msk $0xffff, v4  }
0x69: {  	v5 =	vor.u32 s0, v2;
	v4 =	vld [tilespmem:s11+$0x20];
	_ =	sdelay $0x4  }
0x6a: {  	[tilespmem:v5+s29+$0x0] =	vst.idx.msk $0xffff, v4  }
0x6b: {  	v5 =	vor.u32 s0, v3;
	v4 =	vld [tilespmem:s11+$0x30];
	_ =	sdelay $0x4  }
0x6c: {  	s14 =	simm.s32 $0x0;
	s11 =	rddreg [dreg:$0x9];
	[tilespmem:v5+s29+$0x0] =	vst.idx.msk $0xffff, v4  }
0x6d: {  	[hbm4b:s11+s14] =	stream.linear.scatter [tilespmem:s29], [sflag:$0x4], $0x400, $0x38;
	[tilespmem:$0x10800] =	vst v63  }
0x6e: {  	s20 =	sadd.s32 $0x1000, s11  }
0x6f: {  	[hbm4b:s20+s14] =	stream.linear.scatter [tilespmem:s30], [sflag:$0x4], $0x400, $0x38;
	[tilespmem:$0x10800] =	vst v63  }
0x70: {  	s24 =	sadd.s32 $0x2000, s11  }
0x71: {  	[hbm4b:s24+s14] =	stream.linear.scatter [tilespmem:s31], [sflag:$0x4], $0x400, $0x38;
	[tilespmem:$0x10800] =	vst v63  }
0x72: {  	s13 =	sadd.s32 $0x3000, s11  }
0x73: {  	[hbm4b:s13+s14] =	stream.linear.scatter [tilespmem:s2], [sflag:$0x4], $0x400, $0x38;
	[tilespmem:$0x10800] =	vst v63  }
0x74: {  	s17 =	sadd.s32 $0x4000, s11  }
0x75: {  	[hbm4b:s17+s14] =	stream.linear.scatter [tilespmem:s1], [sflag:$0x4], $0x400, $0x38;
	[tilespmem:$0x10800] =	vst v63  }
0x76: {  	s19 =	sadd.s32 $0x5000, s11  }
0x77: {  	[hbm4b:s19+s14] =	stream.linear.scatter [tilespmem:s28], [sflag:$0x4], $0x400, $0x38;
	[tilespmem:$0x10800] =	vst v63  }
0x78: {  	s20 =	sadd.s32 $0x6000, s11  }
0x79: {  	[hbm4b:s20+s14] =	stream.linear.scatter [tilespmem:s7], [sflag:$0x4], $0x400, $0x38;
	[tilespmem:$0x10800] =	vst v63  }
0x7a: {  	s24 =	sadd.s32 $0x7000, s11  }
0x7b: {  	[hbm4b:s24+s14] =	stream.linear.scatter [tilespmem:s8], [sflag:$0x4], $0x400, $0x38;
	[tilespmem:$0x10800] =	vst v63  }
0x7c: {  	s24 =	simm.s32 $0x0  }
.LBB2_6:
0x7d: {  	s13 =	sshll.u32 s24, $0x1  }
0x7e: {  	s11 =	sadd.s32 $0x3, s13  }
0x7f: {  	_ =	swait.ge [sflag:s12], $0x4000;
	s0 =	sand.u32 $0x7, s11;
	s17 =	sshll.u32 s11, $0x7  }
0x80: {  	[sflag:s12] =	ssyncset.done $0x0;
	s17 =	sand.u32 $0x400, s17;
	s19 =	sshll.u32 s0, $0x7  }
0x81: {  	s20 =	simm.s32 $0x4800;
	[sflag:s12] =	ssyncadd.s32 $0xFFFFC000;
	s17 =	sor.u32 s19, s17  }
0x82: {  	[tilespmem:s20], [sflag:$0x2] =	stream.indirect.gather [hbm4b:s6+s10], $0x80, s17, s10, $0xb8;
	[tilespmem:$0x10800] =	vst v63  }
0x83: {  	_ =	swait.ge [sflag:s16], $0x2000  }
0x84: {  	[sflag:s16] =	ssyncset.done $0x0  }
0x85: {  	s17 =	simm.s32 $0x820;
	[sflag:s16] =	ssyncadd.s32 $0xFFFFE000  }
0x86: {  	v5 =	vor.u32 s14, v0;
	s19 =	simm.s32 $0x0;
	s20 =	simm.s32 $0x1;
	v4 =	vld [tilespmem:s17+$0xFFFFFFE0]  }
.LBB2_7:
0x87: {  	p0 =	sne.s32 s20, $0x7F;
	_ =	sdelay $0x3  }
0x88: {  	[tilespmem:v5+s15+$0x0] =	vst.idx.msk $0xffff, v4  }
0x89: {  	v5 =	vor.u32 s19, v1;
	v4 =	vld [tilespmem:s17+$0xFFFFFFF0];
	_ =	sdelay $0x4  }
0x8a: {  	[tilespmem:v5+s15+$0x0] =	vst.idx.msk $0xffff, v4  }
0x8b: {  	v5 =	vor.u32 s19, v2;
	v4 =	vld [tilespmem:s17+$0x0];
	_ =	sdelay $0x4  }
0x8c: {  	[tilespmem:v5+s15+$0x0] =	vst.idx.msk $0xffff, v4  }
0x8d: {  	v5 =	vor.u32 s19, v3;
	s19 =	smov.u32 s20;
	v4 =	vld [tilespmem:s17+$0x10];
	_ =	sdelay $0x1  }
.Ltmp4:
0x8e: {  	(pc) =	sbr.rel @p0 .LBB2_7-.Ltmp4, $3  }
0x8f: {  	_ =	sdelay $0x1  }
0x90: {  	s17 =	sadd.s32 $0x80, s17;
	[tilespmem:v5+s15+$0x0] =	vst.idx.msk $0xffff, v4  }
0x91: {  	s20 =	sadd.s32 $0x1, s20;
	v5 =	vor.u32 s19, v0;
	v4 =	vld [tilespmem:s17+$0xFFFFFFE0]  }
0x92: {  	_ =	sdelay $0x3  }
0x93: {  	[tilespmem:v5+s15+$0x0] =	vst.idx.msk $0xffff, v4  }
0x94: {  	v5 =	vor.u32 s19, v1;
	v4 =	vld [tilespmem:s17+$0xFFFFFFF0];
	_ =	sdelay $0x4  }
0x95: {  	[tilespmem:v5+s15+$0x0] =	vst.idx.msk $0xffff, v4  }
0x96: {  	v5 =	vor.u32 s19, v2;
	v4 =	vld [tilespmem:s17+$0x0];
	_ =	sdelay $0x4  }
0x97: {  	s20 =	sadd.s32 $0x2, s13;
	[tilespmem:v5+s15+$0x0] =	vst.idx.msk $0xffff, v4  }
0x98: {  	v5 =	vor.u32 s19, v3;
	s19 =	sshrl.u32 s20, $0x3;
	v4 =	vld [tilespmem:s17+$0x10]  }
0x99: {  	s17 =	sadd.s32 s5, s19;
	s19 =	sshll.u32 s20, $0xF  }
0x9a: {  	s20 =	sshll.u32 s17, $0xD;
	s19 =	sand.u32 $0x30000, s19  }
0x9b: {  	s17 =	sshll.u32 s17, $0x7;
	s20 =	sand.u32 $0xFFC0000, s20;
	s19 =	sadd.s32 s3, s19  }
0x9c: {  	s17 =	sand.u32 $0xF80, s17;
	s19 =	sadd.s32 s20, s19  }
0x9d: {  	s17 =	sadd.s32 s17, s19;
	[tilespmem:v5+s15+$0x0] =	vst.idx.msk $0xffff, v4  }
0x9e: {  	[hbm4b:s17+s4] =	stream.linear.scatter [tilespmem:s15], [sflag:$0x3], $0x400, $0x38;
	[tilespmem:$0x10800] =	vst v63  }
0x9f: {  	s20 =	simm.s32 $0x9000;
	s19 =	sadd.s32 $0x1000, s17  }
0xa0: {  	[hbm4b:s19+s4] =	stream.linear.scatter [tilespmem:s20], [sflag:$0x3], $0x400, $0x38;
	[tilespmem:$0x10800] =	vst v63  }
0xa1: {  	s19 =	sadd.s32 $0x2000, s17;
	s20 =	simm.s32 $0x9800  }
0xa2: {  	[hbm4b:s19+s4] =	stream.linear.scatter [tilespmem:s20], [sflag:$0x3], $0x400, $0x38;
	[tilespmem:$0x10800] =	vst v63  }
0xa3: {  	s19 =	sadd.s32 $0x3000, s17;
	s20 =	simm.s32 $0xA000  }
0xa4: {  	[hbm4b:s19+s4] =	stream.linear.scatter [tilespmem:s20], [sflag:$0x3], $0x400, $0x38;
	[tilespmem:$0x10800] =	vst v63  }
0xa5: {  	s20 =	sadd.s32 $0x4000, s17  }
0xa6: {  	[hbm4b:s20+s4] =	stream.linear.scatter [tilespmem:s21], [sflag:$0x3], $0x400, $0x38;
	[tilespmem:$0x10800] =	vst v63  }
0xa7: {  	s20 =	sadd.s32 $0x5000, s17  }
0xa8: {  	[hbm4b:s20+s4] =	stream.linear.scatter [tilespmem:s22], [sflag:$0x3], $0x400, $0x38;
	[tilespmem:$0x10800] =	vst v63  }
0xa9: {  	s20 =	sadd.s32 $0x6000, s17  }
0xaa: {  	[hbm4b:s20+s4] =	stream.linear.scatter [tilespmem:s23], [sflag:$0x3], $0x400, $0x38;
	[tilespmem:$0x10800] =	vst v63  }
0xab: {  	s17 =	sadd.s32 $0x7000, s17  }
0xac: {  	[hbm4b:s17+s4] =	stream.linear.scatter [tilespmem:s25], [sflag:$0x3], $0x400, $0x38;
	[tilespmem:$0x10800] =	vst v63  }
0xad: {  	s17 =	sadd.s32 $0x4, s13  }
0xae: {  	p0 =	seq.s32 s24, $0x62;
	s13 =	sand.u32 $0x6, s17  }
0xaf: {  	p1 =	sne.s32 @!p0 s13, $0x0  }
0xb0: {  	p1 =	por p0, p1  }
.Ltmp5:
0xb1: {  	_ = 	snop;
	(pc) =	sbr.rel @p1 .LBB2_10-.Ltmp5, $4  }
0xb2: {  	_ = 	snop  }
0xb3: {  	_ =	swait.ge [sflag:s26], $0x4000  }
0xb4: {  	[sflag:s26] =	ssyncset.done $0x0  }
0xb5: {  	[sflag:s26] =	ssyncadd.s32 $0xFFFFC000  }
0xb6: {  	s19 =	sshrl.u32 s17, $0x3  }
0xb7: {  	s19 =	sadd.s32 s5, s19  }
0xb8: {  	s20 =	sshll.u32 s17, $0x7;
	s19 =	sshll.u32 s19, $0x7  }
0xb9: {  	s17 =	sand.u32 $0x400, s20;
	s20 =	rddreg [dreg:$0x0];
	s19 =	sand.u32 $0xFFFFF80, s19  }
0xba: {  	s19 =	sadd.s32 s20, s19  }
0xbb: {  	[tilespmem:s17], [sflag:$0x5] =	stream.linear.gather [hbm4b:s19+s4], $0x400, $0x38;
	[tilespmem:$0x10800] =	vst v63  }
0xbc: {  	_ =	swait.ge [sflag:s9], $0x400  }
0xbd: {  	[sflag:s9] =	ssyncset.done $0x0  }
0xbe: {  	[sflag:s9] =	ssyncadd.s32 $0xFFFFFC00  }
.LBB2_12:
0xbf: {  	s13 =	sshll.u32 s13, $0x7  }
0xc0: {  	s20 =	simm.s32 $0x800;
	s13 =	sadd.s32 s13, s17  }
0xc1: {  	[tilespmem:s20], [sflag:$0x1] =	stream.indirect.gather [hbm4b:s6+s10], $0x80, s13, s10, $0xb8;
	[tilespmem:$0x10800] =	vst v63  }
.LBB2_13:
0xc2: {  	_ =	swait.ge [sflag:s18], $0x2000  }
0xc3: {  	[sflag:s18] =	ssyncset.done $0x0  }
0xc4: {  	s13 =	simm.s32 $0x0;
	s17 =	simm.s32 $0x4800;
	[sflag:s18] =	ssyncadd.s32 $0xFFFFE000  }
0xc5: {  	s19 =	simm.s32 $0x1;
	v5 =	vor.u32 s13, v0;
	v4 =	vld [tilespmem:s17+$0x0]  }
.LBB2_14:
0xc6: {  	p0 =	sne.s32 s19, $0x7F;
	_ =	sdelay $0x3  }
0xc7: {  	[tilespmem:v5+s29+$0x0] =	vst.idx.msk $0xffff, v4  }
0xc8: {  	v5 =	vor.u32 s13, v1;
	v4 =	vld [tilespmem:s17+$0x10];
	_ =	sdelay $0x4  }
0xc9: {  	[tilespmem:v5+s29+$0x0] =	vst.idx.msk $0xffff, v4  }
0xca: {  	v5 =	vor.u32 s13, v2;
	v4 =	vld [tilespmem:s17+$0x20];
	_ =	sdelay $0x4  }
0xcb: {  	[tilespmem:v5+s29+$0x0] =	vst.idx.msk $0xffff, v4  }
0xcc: {  	v5 =	vor.u32 s13, v3;
	s13 =	smov.u32 s19;
	v4 =	vld [tilespmem:s17+$0x30];
	_ =	sdelay $0x1  }
.Ltmp6:
0xcd: {  	(pc) =	sbr.rel @p0 .LBB2_14-.Ltmp6, $3  }
0xce: {  	_ =	sdelay $0x1  }
0xcf: {  	s17 =	sadd.s32 $0x80, s17;
	[tilespmem:v5+s29+$0x0] =	vst.idx.msk $0xffff, v4  }
0xd0: {  	s19 =	sadd.s32 $0x1, s19;
	v5 =	vor.u32 s13, v0;
	v4 =	vld [tilespmem:s17+$0x0]  }
0xd1: {  	_ =	sdelay $0x3  }
0xd2: {  	[tilespmem:v5+s29+$0x0] =	vst.idx.msk $0xffff, v4  }
0xd3: {  	v5 =	vor.u32 s13, v1;
	v4 =	vld [tilespmem:s17+$0x10];
	_ =	sdelay $0x4  }
0xd4: {  	[tilespmem:v5+s29+$0x0] =	vst.idx.msk $0xffff, v4  }
0xd5: {  	v5 =	vor.u32 s13, v2;
	v4 =	vld [tilespmem:s17+$0x20];
	_ =	sdelay $0x4  }
0xd6: {  	[tilespmem:v5+s29+$0x0] =	vst.idx.msk $0xffff, v4  }
0xd7: {  	s11 =	sshrl.u32 s11, $0x3;
	v5 =	vor.u32 s13, v3;
	v4 =	vld [tilespmem:s17+$0x30]  }
0xd8: {  	s11 =	sadd.s32 s5, s11  }
0xd9: {  	s0 =	sshll.u32 s0, $0xF;
	s19 =	sshll.u32 s11, $0xD  }
0xda: {  	s0 =	sadd.s32 s3, s0;
	s11 =	sshll.u32 s11, $0x7;
	s13 =	sand.u32 $0xFFC0000, s19  }
0xdb: {  	s11 =	sand.u32 $0xF80, s11;
	s0 =	sadd.s32 s13, s0  }
0xdc: {  	s0 =	sadd.s32 s11, s0;
	[tilespmem:v5+s29+$0x0] =	vst.idx.msk $0xffff, v4  }
0xdd: {  	[hbm4b:s0+s4] =	stream.linear.scatter [tilespmem:s29], [sflag:$0x4], $0x400, $0x38;
	[tilespmem:$0x10800] =	vst v63  }
0xde: {  	s11 =	sadd.s32 $0x1000, s0  }
0xdf: {  	[hbm4b:s11+s4] =	stream.linear.scatter [tilespmem:s30], [sflag:$0x4], $0x400, $0x38;
	[tilespmem:$0x10800] =	vst v63  }
0xe0: {  	s20 =	sadd.s32 $0x2000, s0  }
0xe1: {  	[hbm4b:s20+s4] =	stream.linear.scatter [tilespmem:s31], [sflag:$0x4], $0x400, $0x38;
	[tilespmem:$0x10800] =	vst v63  }
0xe2: {  	s13 =	sadd.s32 $0x3000, s0  }
0xe3: {  	[hbm4b:s13+s4] =	stream.linear.scatter [tilespmem:s2], [sflag:$0x4], $0x400, $0x38;
	[tilespmem:$0x10800] =	vst v63  }
0xe4: {  	s24 =	sadd.s32 $0x1, s24;
	s17 =	sadd.s32 $0x4000, s0  }
0xe5: {  	[hbm4b:s17+s4] =	stream.linear.scatter [tilespmem:s1], [sflag:$0x4], $0x400, $0x38;
	[tilespmem:$0x10800] =	vst v63  }
0xe6: {  	p0 =	sne.s32 s24, $0x63;
	s19 =	sadd.s32 $0x5000, s0  }
0xe7: {  	[hbm4b:s19+s4] =	stream.linear.scatter [tilespmem:s28], [sflag:$0x4], $0x400, $0x38;
	[tilespmem:$0x10800] =	vst v63  }
.Ltmp7:
0xe8: {  	_ = 	snop;
	(pc) =	sbr.rel @p0 .LBB2_6-.Ltmp7, $4  }
.Ltmp8:
0xe9: {  	s20 =	sadd.s32 $0x6000, s0;
	(pc) =	sbr.rel @!p0 .LBB2_16-.Ltmp8, $4  }
0xea: {  	[hbm4b:s20+s4] =	stream.linear.scatter [tilespmem:s7], [sflag:$0x4], $0x400, $0x38;
	[tilespmem:$0x10800] =	vst v63  }
0xeb: {  	s0 =	sadd.s32 $0x7000, s0  }
0xec: {  	[hbm4b:s0+s4] =	stream.linear.scatter [tilespmem:s8], [sflag:$0x4], $0x400, $0x38;
	[tilespmem:$0x10800] =	vst v63  }
0xed: {  	_ = 	snop  }
.LBB2_10:
.Ltmp9:
0xee: {  	(pc) =	sbr.rel @p0 .LBB2_13-.Ltmp9, $1  }
0xef: {  	_ =	sdelay $0x3  }
.Ltmp10:
0xf0: {  	(pc) =	sbr.rel .LBB2_12-.Ltmp10, $3  }
0xf1: {  	_ =	sdelay $0x1  }
0xf2: {  	s17 =	sshll.u32 s17, $0x7  }
0xf3: {  	s17 =	sand.u32 $0x400, s17  }
.LBB2_17:
0xf4: {  	_ =	sfence.sel $0x180000  }
0xf5: {  	[bflag:$0x0] =	sbarrier.arrive $0xFFFF  }
0xf6: {  	_ =	strace $0x90000047  }
0xf7: {  	s0 =	stileid.u32;
	[bflag:$0x2] =	sbarrier.arrive $0xFFFF  }
0xf8: {  	p0 =	sne.s32 s0, $0x0;
	s0 =	rddreg [dreg:$0x3]  }
0xf9: {  	s0 =	sadd.s32 @!p0 $0x100000, s0  }
0xfa: {  	[sflag:s0] =	ssyncadd.tile.s32 @!p0 $0x1;
	_ =	shalt  }
.Lfunc_end2:
_tile_overlayer_lowered:
.L_overlay_start_2:
0xfb: {  	(tag) =	ssettag $0x2  }
0xfc: {  	s0 =	rddreg [dreg:$0x0];
	s2 =	stileid.u32  }
0xfd: {  	s1 =	rddreg [dreg:$0x1];
	p0 =	sne.s32 s2, $0x0  }
0xfe: {  	s3 =	rddreg [dreg:$0x2];
	[bflag:$0x3] =	sbarrier.arrive $0xFFFF;
	s2 =	simm.s32 @!p0 $0x1C05  }
0xff: {  	[timem:s3], [sflag:s2] =	dma.local @!p0 [hbm:s0], s1  }
0x100: {  	s0 =	simm.s32 @!p0 $0x5  }
0x101: {  	_ =	swait.ge @!p0 [sflag:s0], s1  }
0x102: {  	s1 =	ssub.s32 @!p0 $0x0, s1;
	[sflag:s0] =	ssyncset.done @!p0 $0x0  }
0x103: {  	[sflag:s0] =	ssyncadd.s32 @!p0 s1  }
0x104: {  	[bflag:$0x3] =	sbarrier.arrive $0xFFFF  }
0x105: {  	_ =	shalt  }

</sc_bundles>
